<compile_context>
chip_gen: v7x
topology: tpu7x:2x2x1
jax: 0.10.2.dev20260603
libtpu: 0.0.44.dev20260713+nightly
codegen_flags: <defaults>
</compile_context>

<pallas_src>
import functools

import jax
import jax.numpy as jnp
from jax import lax
from jax.experimental import pallas as pl
from jax.experimental.pallas import tpu as pltpu
from jax.experimental.pallas import tpu_sc as plsc

_NUM_GROUP = 128
_GROUP_SIZE = 32
_EXPAND = 1.5
_T = 4


def _fps_body(xt_ref, cent_ref):
    _, b, n = xt_ref.shape
    ncen = cent_ref.shape[2]
    xs = xt_ref[0]
    ys = xt_ref[1]
    zs = xt_ref[2]
    lane = lax.broadcasted_iota(jnp.int32, (b, n), 1)
    cidx = lax.broadcasted_iota(jnp.int32, (b, ncen), 1)

    def body(i, carry):
        dists, last, cx, cy, cz = carry
        hot = lane == last
        px = jnp.sum(jnp.where(hot, xs, 0.0), axis=1, keepdims=True)
        py = jnp.sum(jnp.where(hot, ys, 0.0), axis=1, keepdims=True)
        pz = jnp.sum(jnp.where(hot, zs, 0.0), axis=1, keepdims=True)
        chere = cidx == (i - 1)
        cx = jnp.where(chere, px, cx)
        cy = jnp.where(chere, py, cy)
        cz = jnp.where(chere, pz, cz)
        dx = xs - px
        dy = ys - py
        dz = zs - pz
        d = dx * dx + dy * dy + dz * dz
        dists = jnp.minimum(dists, d)
        m = jnp.max(dists, axis=1, keepdims=True)
        nxt = jnp.min(jnp.where(dists == m, lane, n), axis=1, keepdims=True)
        return dists, nxt, cx, cy, cz

    dists0 = jnp.full((b, n), 1e10, jnp.float32)
    last0 = jnp.zeros((b, 1), jnp.int32)
    cz0 = jnp.zeros((b, ncen), jnp.float32)
    _, _, cx, cy, cz = lax.fori_loop(
        1, ncen + 1, body, (dists0, last0, cz0, cz0, cz0))
    cent_ref[0] = cx
    cent_ref[1] = cy
    cent_ref[2] = cz


def _knn_body(xt_ref, q_ref, idx_ref):
    n = xt_ref.shape[2]
    gs = idx_ref.shape[2]
    xt = xt_ref[0]
    q = q_ref[0]
    r0 = xt[0:1, :]
    r1 = xt[1:2, :]
    r2 = xt[2:3, :]
    q0 = q[:, 0:1]
    q1 = q[:, 1:2]
    q2 = q[:, 2:3]
    xtb = xt.astype(jnp.bfloat16).astype(jnp.float32)
    qb = q.astype(jnp.bfloat16).astype(jnp.float32)
    b0 = xtb[0:1, :]
    b1 = xtb[1:2, :]
    b2 = xtb[2:3, :]
    p0 = qb[:, 0:1]
    p1 = qb[:, 1:2]
    p2 = qb[:, 2:3]
    qr = p0 * b0 + p1 * b1 + p2 * b2
    qq = q0 * q0 + q1 * q1 + q2 * q2
    rr = r0 * r0 + r1 * r1 + r2 * r2
    d = (qq - 2.0 * qr) + rr
    lane = lax.broadcasted_iota(jnp.int32, d.shape, 1)
    for j in range(gs):
        m = jnp.min(d, axis=1, keepdims=True)
        sel = jnp.min(jnp.where(d == m, lane, n), axis=1, keepdims=True)
        idx_ref[0, :, j:j + 1] = sel
        d = jnp.where(lane == sel, jnp.inf, d)


def _make_sc_gather(ncloud, n, nidx):
    mesh = plsc.VectorSubcoreMesh(core_axis_name="c", subcore_axis_name="s")

    @functools.partial(
        pl.kernel,
        out_type=jax.ShapeDtypeStruct((ncloud, 3 * nidx), jnp.float32),
        mesh=mesh,
        scratch_types=[
            pltpu.VMEM((3 * n,), jnp.float32),
            pltpu.VMEM((nidx,), jnp.int32),
            pltpu.VMEM((3 * nidx,), jnp.float32),
            pltpu.VMEM((3 * nidx,), jnp.float32),
        ],
        compiler_params=pltpu.CompilerParams(needs_layout_passes=False),
    )
    def sc_gather(x_hbm, idx_hbm, cexp_hbm, out_hbm, xv, iv, cv, ov):
        w = lax.axis_index("s") * 2 + lax.axis_index("c")
        pltpu.sync_copy(x_hbm.at[w], xv)
        pltpu.sync_copy(idx_hbm.at[w], iv)
        pltpu.sync_copy(cexp_hbm.at[w], cv)

        def step(i, carry):
            off = pl.multiple_of(i * 16, 16)
            ivec = iv[pl.ds(off, 16)]
            for c3 in range(3):
                g = plsc.load_gather(xv, [ivec + jnp.int32(c3 * n)])
                off2 = pl.multiple_of(c3 * nidx + i * 16, 16)
                ov[pl.ds(off2, 16)] = g - cv[pl.ds(off2, 16)]
            return carry

        lax.fori_loop(0, nidx // 16, step, 0)
        pltpu.sync_copy(ov, out_hbm.at[w])

    return sc_gather


def _build_queries(centers, t):
    step_f = int((_EXPAND - 1.0) * _NUM_GROUP / t * 2)
    step_b = int((_EXPAND - 1.0) * _NUM_GROUP)
    parts = []
    for i in range(t):
        a = centers[:, i * step_f:i * step_f + (_NUM_GROUP - step_b)]
        b = centers[:, (i - 1) * step_b + _NUM_GROUP + (t - 1) * step_f:
                    i * step_b + _NUM_GROUP + (t - 1) * step_f]
        parts.append(jnp.concatenate((a, b), axis=1))
    return jnp.stack(parts, axis=0)


def kernel(xyz):
    t, b, n, _ = xyz.shape
    gs = _GROUP_SIZE
    step_f = int((_EXPAND - 1.0) * _NUM_GROUP / t * 2)
    step_b = int((_EXPAND - 1.0) * _NUM_GROUP)
    ncen = _NUM_GROUP + (step_f + step_b) * (t - 1)
    nc = t * b

    x = xyz.reshape(nc, n, 3)
    xt = jnp.transpose(x, (0, 2, 1))

    x8t = jnp.transpose(x[:b], (2, 0, 1))
    cent = pl.pallas_call(
        _fps_body,
        out_shape=jax.ShapeDtypeStruct((3, b, ncen), jnp.float32),
    )(x8t)
    centers = jnp.transpose(cent, (1, 2, 0))

    queries = _build_queries(centers, t).reshape(nc, -1, 3)
    m = queries.shape[1]

    idx = pl.pallas_call(
        _knn_body,
        grid=(nc,),
        in_specs=[
            pl.BlockSpec((1, 3, n), lambda g: (g, 0, 0)),
            pl.BlockSpec((1, m, 3), lambda g: (g, 0, 0)),
        ],
        out_specs=pl.BlockSpec((1, m, gs), lambda g: (g, 0, 0)),
        out_shape=jax.ShapeDtypeStruct((nc, m, gs), jnp.int32),
    )(xt, queries)

    xflat = xt.reshape(nc, 3 * n)
    idxflat = idx.reshape(nc, m * gs)
    qt = jnp.transpose(queries, (0, 2, 1))
    cexp = jnp.broadcast_to(
        qt[:, :, :, None], (nc, 3, m, gs)).reshape(nc, 3 * m * gs)
    nb = _make_sc_gather(nc, n, m * gs)(xflat, idxflat, cexp)

    neighborhood = nb.reshape(nc, 3, m, gs).transpose(0, 2, 3, 1)
    neighborhood = neighborhood.reshape(t, b, m, gs, 3)
    center_out = queries.reshape(t, b, m, 3)
    return (neighborhood, center_out)

# --- scband reference (transcript-rebuilt; emitter-appended) ---
"""Pipeline reference for scband-group-8744553414804 (READ-ONLY COPY).

The authoritative reference and input builder live on the scoring server;
editing this copy changes nothing except your own understanding.
"""

import jax, jax.numpy as jnp
import numpy as np

NUM_GROUP = 128
GROUP_SIZE = 32
EXPAND = 1.5
T = 4


def fps(data, number):
    B, N, _ = data.shape
    d0 = jax.lax.stop_gradient(data)
    dists = jnp.full((B, N), 1e10, dtype=data.dtype)
    idxs = jnp.zeros((B, number), dtype=jnp.int32)
    last = jnp.zeros((B,), dtype=jnp.int32)

    def body(i, state):
        dists, idxs, last = state
        last_pt = jnp.take_along_axis(d0, jnp.broadcast_to(last[:, None, None], (B, 1, 3)).astype(jnp.int32), axis=1)
        d = jnp.sum((d0 - last_pt) ** 2, axis=-1)
        dists = jnp.minimum(dists, d)
        nxt = jnp.argmax(dists, axis=-1).astype(jnp.int32)
        idxs = idxs.at[:, i].set(nxt)
        return (dists, idxs, nxt)

    dists, idxs, last = jax.lax.fori_loop(1, number, body, (dists, idxs, last))
    return jnp.take_along_axis(data, jnp.broadcast_to(idxs[:, :, None], (B, number, 3)), axis=1)


def knn_idx(ref, query, k):
    r = jax.lax.stop_gradient(ref)
    q = jax.lax.stop_gradient(query)
    d = (jnp.sum(q * q, axis=-1)[:, :, None]
         - 2.0 * jnp.einsum('bmd,bnd->bmn', q, r)
         + jnp.sum(r * r, axis=-1)[:, None, :])
    _, idx = jax.lax.top_k(-d, k)
    return idx


def setup_inputs(seed: int = 0) -> dict:
    key = jax.random.key(seed)
    xyz = jax.random.normal(key, (T, 8, 8192, 3), dtype=jnp.float32)
    return {"xyz": xyz}


def reference(xyz):
    Tdim, batch_size, num_points, _ = xyz.shape
    step_size_f = int((EXPAND - 1.0) * NUM_GROUP / T * 2)
    step_size_b = int((EXPAND - 1.0) * NUM_GROUP)
    x = xyz.reshape(Tdim * batch_size, num_points, 3)
    center = fps(x[:batch_size], NUM_GROUP + (step_size_f + step_size_b) * (T - 1))
    parts = []
    for i in range(T):
        a = center[:, i * step_size_f:i * step_size_f + (NUM_GROUP - step_size_b)]
        b = center[:, (i - 1) * step_size_b + NUM_GROUP + (T - 1) * step_size_f:i * step_size_b + NUM_GROUP + (T - 1) * step_size_f]
        parts.append(jnp.concatenate((a, b), axis=1))
    center = jnp.stack(parts, axis=0).reshape(T * batch_size, -1, 3)
    idx = knn_idx(x, center, GROUP_SIZE)
    idx_base = (jnp.arange(0, batch_size * T, dtype=jnp.int32)[:, None, None] * num_points)
    idx = (idx + idx_base).reshape(-1)
    neighborhood = x.reshape(T * batch_size * num_points, -1)[idx, :]
    neighborhood = neighborhood.reshape(T, batch_size, -1, GROUP_SIZE, 3)
    center = center.reshape(T, batch_size, -1, 1, 3)
    neighborhood = neighborhood - center
    return (neighborhood, jnp.squeeze(center, axis=-2))

if __name__ == "__main__":
    import jax
    _d = setup_inputs()
    print(jax.jit(kernel)(*tuple(_d.values())))

</pallas_src>

<mosaic_0001>
#map = affine_map<(d0, d1) -> (0, 0)>
module attributes {stable_mosaic.version = 14 : i64} {
  func.func @sc_gather(%arg0: i32, %arg1: i32, %arg2: memref<32x24576xf32, #tpu.memory_space<hbm>>, %arg3: memref<32x4096xi32, #tpu.memory_space<hbm>>, %arg4: memref<32x12288xf32, #tpu.memory_space<hbm>>, %arg5: memref<32x12288xf32, #tpu.memory_space<hbm>>, %arg6: memref<24576xf32, #tpu.memory_space<vmem>>, %arg7: memref<4096xi32, #tpu.memory_space<vmem>>, %arg8: memref<12288xf32, #tpu.memory_space<vmem>>, %arg9: memref<12288xf32, #tpu.memory_space<vmem>>) attributes {dimension_semantics = [#tpu.dimension_semantics<core_parallel>, #tpu.dimension_semantics<subcore_parallel>], iteration_bounds = array<i64: 2, 16>, scalar_prefetch = 0 : i64, scratch_operands = 4 : i64, tpu.core_type = #tpu.core_type<sc_vector_subcore>, window_params = [{transform_indices = #map}, {transform_indices = #map}, {transform_indices = #map}, {transform_indices = #map}]} {
    %mul3A = arith.constant 2 : i32
    %mul3A_0 = arith.muli %arg1, %mul3A : i32
    %add3A = arith.addi %mul3A_0, %arg0 : i32
    "tpu.region"() ({
      %run_scoped3A = tpu.sem_alloc : memref<!tpu.dma_semaphore, #tpu.memory_space<semaphore_mem>>
      %dma_start3A = arith.constant 0 : i32
      %dma_start3A_6 = tpu.memref_slice %arg2[%add3A, %dma_start3A] : memref<32x24576xf32, #tpu.memory_space<hbm>> -> memref<1x24576xf32, #tpu.memory_space<hbm>>
      %dma_start3A_7 = tpu.memref_squeeze %dma_start3A_6 : memref<1x24576xf32, #tpu.memory_space<hbm>> -> memref<24576xf32, #tpu.memory_space<hbm>>
      %dma_start3A_8 = arith.constant 0 : i32
      %dma_start3A_9 = tpu.memref_slice %arg2[%add3A, %dma_start3A_8] : memref<32x24576xf32, #tpu.memory_space<hbm>> -> memref<1x24576xf32, #tpu.memory_space<hbm>>
      %dma_start3A_10 = tpu.memref_squeeze %dma_start3A_9 : memref<1x24576xf32, #tpu.memory_space<hbm>> -> memref<24576xf32, #tpu.memory_space<hbm>>
      tpu.enqueue_dma source(%dma_start3A_10 : memref<24576xf32, #tpu.memory_space<hbm>>) target(%arg6 : memref<24576xf32, #tpu.memory_space<vmem>>) target_semaphore(%run_scoped3A : memref<!tpu.dma_semaphore, #tpu.memory_space<semaphore_mem>>)
      %dma_wait3A = arith.constant 0 : i32
      %dma_wait3A_11 = tpu.memref_slice %arg2[%add3A, %dma_wait3A] : memref<32x24576xf32, #tpu.memory_space<hbm>> -> memref<1x24576xf32, #tpu.memory_space<hbm>>
      %dma_wait3A_12 = tpu.memref_squeeze %dma_wait3A_11 : memref<1x24576xf32, #tpu.memory_space<hbm>> -> memref<24576xf32, #tpu.memory_space<hbm>>
      %dma_wait3A_13 = arith.constant 0 : i32
      %dma_wait3A_14 = tpu.memref_slice %arg2[%add3A, %dma_wait3A_13] : memref<32x24576xf32, #tpu.memory_space<hbm>> -> memref<1x24576xf32, #tpu.memory_space<hbm>>
      %dma_wait3A_15 = tpu.memref_squeeze %dma_wait3A_14 : memref<1x24576xf32, #tpu.memory_space<hbm>> -> memref<24576xf32, #tpu.memory_space<hbm>>
      tpu.wait_dma2 semaphore(%run_scoped3A : memref<!tpu.dma_semaphore, #tpu.memory_space<semaphore_mem>>) src(%dma_wait3A_15 : memref<24576xf32, #tpu.memory_space<hbm>>) dst(%arg6 : memref<24576xf32, #tpu.memory_space<vmem>>)
      tpu.yield
    }) : () -> ()
    "tpu.region"() ({
      %run_scoped3A = tpu.sem_alloc : memref<!tpu.dma_semaphore, #tpu.memory_space<semaphore_mem>>
      %dma_start3A = arith.constant 0 : i32
      %dma_start3A_6 = tpu.memref_slice %arg3[%add3A, %dma_start3A] : memref<32x4096xi32, #tpu.memory_space<hbm>> -> memref<1x4096xi32, #tpu.memory_space<hbm>>
      %dma_start3A_7 = tpu.memref_squeeze %dma_start3A_6 : memref<1x4096xi32, #tpu.memory_space<hbm>> -> memref<4096xi32, #tpu.memory_space<hbm>>
      %dma_start3A_8 = arith.constant 0 : i32
      %dma_start3A_9 = tpu.memref_slice %arg3[%add3A, %dma_start3A_8] : memref<32x4096xi32, #tpu.memory_space<hbm>> -> memref<1x4096xi32, #tpu.memory_space<hbm>>
      %dma_start3A_10 = tpu.memref_squeeze %dma_start3A_9 : memref<1x4096xi32, #tpu.memory_space<hbm>> -> memref<4096xi32, #tpu.memory_space<hbm>>
      tpu.enqueue_dma source(%dma_start3A_10 : memref<4096xi32, #tpu.memory_space<hbm>>) target(%arg7 : memref<4096xi32, #tpu.memory_space<vmem>>) target_semaphore(%run_scoped3A : memref<!tpu.dma_semaphore, #tpu.memory_space<semaphore_mem>>)
      %dma_wait3A = arith.constant 0 : i32
      %dma_wait3A_11 = tpu.memref_slice %arg3[%add3A, %dma_wait3A] : memref<32x4096xi32, #tpu.memory_space<hbm>> -> memref<1x4096xi32, #tpu.memory_space<hbm>>
      %dma_wait3A_12 = tpu.memref_squeeze %dma_wait3A_11 : memref<1x4096xi32, #tpu.memory_space<hbm>> -> memref<4096xi32, #tpu.memory_space<hbm>>
      %dma_wait3A_13 = arith.constant 0 : i32
      %dma_wait3A_14 = tpu.memref_slice %arg3[%add3A, %dma_wait3A_13] : memref<32x4096xi32, #tpu.memory_space<hbm>> -> memref<1x4096xi32, #tpu.memory_space<hbm>>
      %dma_wait3A_15 = tpu.memref_squeeze %dma_wait3A_14 : memref<1x4096xi32, #tpu.memory_space<hbm>> -> memref<4096xi32, #tpu.memory_space<hbm>>
      tpu.wait_dma2 semaphore(%run_scoped3A : memref<!tpu.dma_semaphore, #tpu.memory_space<semaphore_mem>>) src(%dma_wait3A_15 : memref<4096xi32, #tpu.memory_space<hbm>>) dst(%arg7 : memref<4096xi32, #tpu.memory_space<vmem>>)
      tpu.yield
    }) : () -> ()
    "tpu.region"() ({
      %run_scoped3A = tpu.sem_alloc : memref<!tpu.dma_semaphore, #tpu.memory_space<semaphore_mem>>
      %dma_start3A = arith.constant 0 : i32
      %dma_start3A_6 = tpu.memref_slice %arg4[%add3A, %dma_start3A] : memref<32x12288xf32, #tpu.memory_space<hbm>> -> memref<1x12288xf32, #tpu.memory_space<hbm>>
      %dma_start3A_7 = tpu.memref_squeeze %dma_start3A_6 : memref<1x12288xf32, #tpu.memory_space<hbm>> -> memref<12288xf32, #tpu.memory_space<hbm>>
      %dma_start3A_8 = arith.constant 0 : i32
      %dma_start3A_9 = tpu.memref_slice %arg4[%add3A, %dma_start3A_8] : memref<32x12288xf32, #tpu.memory_space<hbm>> -> memref<1x12288xf32, #tpu.memory_space<hbm>>
      %dma_start3A_10 = tpu.memref_squeeze %dma_start3A_9 : memref<1x12288xf32, #tpu.memory_space<hbm>> -> memref<12288xf32, #tpu.memory_space<hbm>>
      tpu.enqueue_dma source(%dma_start3A_10 : memref<12288xf32, #tpu.memory_space<hbm>>) target(%arg8 : memref<12288xf32, #tpu.memory_space<vmem>>) target_semaphore(%run_scoped3A : memref<!tpu.dma_semaphore, #tpu.memory_space<semaphore_mem>>)
      %dma_wait3A = arith.constant 0 : i32
      %dma_wait3A_11 = tpu.memref_slice %arg4[%add3A, %dma_wait3A] : memref<32x12288xf32, #tpu.memory_space<hbm>> -> memref<1x12288xf32, #tpu.memory_space<hbm>>
      %dma_wait3A_12 = tpu.memref_squeeze %dma_wait3A_11 : memref<1x12288xf32, #tpu.memory_space<hbm>> -> memref<12288xf32, #tpu.memory_space<hbm>>
      %dma_wait3A_13 = arith.constant 0 : i32
      %dma_wait3A_14 = tpu.memref_slice %arg4[%add3A, %dma_wait3A_13] : memref<32x12288xf32, #tpu.memory_space<hbm>> -> memref<1x12288xf32, #tpu.memory_space<hbm>>
      %dma_wait3A_15 = tpu.memref_squeeze %dma_wait3A_14 : memref<1x12288xf32, #tpu.memory_space<hbm>> -> memref<12288xf32, #tpu.memory_space<hbm>>
      tpu.wait_dma2 semaphore(%run_scoped3A : memref<!tpu.dma_semaphore, #tpu.memory_space<semaphore_mem>>) src(%dma_wait3A_15 : memref<12288xf32, #tpu.memory_space<hbm>>) dst(%arg8 : memref<12288xf32, #tpu.memory_space<vmem>>)
      tpu.yield
    }) : () -> ()
    %scan3A = arith.constant 0 : i32
    %scan3A_1 = arith.constant 0 : i32
    %scan3A_2 = arith.constant 256 : i32
    %scan3A_3 = arith.addi %scan3A_1, %scan3A_2 : i32
    %scan3A_4 = arith.constant 1 : i32
    scf.for %scan3A_6 = %scan3A_1 to %scan3A_3 step %scan3A_4  : i32 {
      %mul3A_7 = arith.constant 16 : i32
      %mul3A_8 = arith.muli %scan3A_6, %mul3A_7 : i32
      %multiple_of3A = tpu.assume_multiple %mul3A_8, 16 : i32
      %get3A = arith.index_cast %multiple_of3A : i32 to index
      %get3A_9 = tpu.vector_load %arg7[%get3A] {strides = array<i32>} : memref<4096xi32, #tpu.memory_space<vmem>>, vector<16xi32>,
      %add3A_10 = arith.constant 0 : i32
      %add3A_11 = vector.broadcast %add3A_10 : i32 to vector<16xi32>
      %add3A_12 = arith.addi %get3A_9, %add3A_11 : vector<16xi32>
      %gather3A = tpu.vector_load_idx %arg6[%add3A_12] : memref<24576xf32, #tpu.memory_space<vmem>>[vector<16xi32>], vector<16xf32>,
      %mul3A_13 = arith.constant 16 : i32
      %mul3A_14 = arith.muli %scan3A_6, %mul3A_13 : i32
      %add3A_15 = arith.constant 0 : i32
      %add3A_16 = arith.addi %add3A_15, %mul3A_14 : i32
      %multiple_of3A_17 = tpu.assume_multiple %add3A_16, 16 : i32
      %get3A_18 = arith.index_cast %multiple_of3A_17 : i32 to index
      %get3A_19 = tpu.vector_load %arg8[%get3A_18] {strides = array<i32>} : memref<12288xf32, #tpu.memory_space<vmem>>, vector<16xf32>,
      %sub3A = arith.subf %gather3A, %get3A_19 : vector<16xf32>
      %swap3A = arith.index_cast %multiple_of3A_17 : i32 to index
      %swap3A_20 = tpu.vector_load %arg9[%swap3A] {strides = array<i32>} : memref<12288xf32, #tpu.memory_space<vmem>>, vector<16xf32>,
      tpu.vector_store %arg9[%swap3A], %sub3A {strides = array<i32>} : memref<12288xf32, #tpu.memory_space<vmem>>, vector<16xf32>,
      %add3A_21 = arith.constant 8192 : i32
      %add3A_22 = vector.broadcast %add3A_21 : i32 to vector<16xi32>
      %add3A_23 = arith.addi %get3A_9, %add3A_22 : vector<16xi32>
      %gather3A_24 = tpu.vector_load_idx %arg6[%add3A_23] : memref<24576xf32, #tpu.memory_space<vmem>>[vector<16xi32>], vector<16xf32>,
      %mul3A_25 = arith.constant 16 : i32
      %mul3A_26 = arith.muli %scan3A_6, %mul3A_25 : i32
      %add3A_27 = arith.constant 4096 : i32
      %add3A_28 = arith.addi %add3A_27, %mul3A_26 : i32
      %multiple_of3A_29 = tpu.assume_multiple %add3A_28, 16 : i32
      %get3A_30 = arith.index_cast %multiple_of3A_29 : i32 to index
      %get3A_31 = tpu.vector_load %arg8[%get3A_30] {strides = array<i32>} : memref<12288xf32, #tpu.memory_space<vmem>>, vector<16xf32>,
      %sub3A_32 = arith.subf %gather3A_24, %get3A_31 : vector<16xf32>
      %swap3A_33 = arith.index_cast %multiple_of3A_29 : i32 to index
      %swap3A_34 = tpu.vector_load %arg9[%swap3A_33] {strides = array<i32>} : memref<12288xf32, #tpu.memory_space<vmem>>, vector<16xf32>,
      tpu.vector_store %arg9[%swap3A_33], %sub3A_32 {strides = array<i32>} : memref<12288xf32, #tpu.memory_space<vmem>>, vector<16xf32>,
      %add3A_35 = arith.constant 16384 : i32
      %add3A_36 = vector.broadcast %add3A_35 : i32 to vector<16xi32>
      %add3A_37 = arith.addi %get3A_9, %add3A_36 : vector<16xi32>
      %gather3A_38 = tpu.vector_load_idx %arg6[%add3A_37] : memref<24576xf32, #tpu.memory_space<vmem>>[vector<16xi32>], vector<16xf32>,
      %mul3A_39 = arith.constant 16 : i32
      %mul3A_40 = arith.muli %scan3A_6, %mul3A_39 : i32
      %add3A_41 = arith.constant 8192 : i32
      %add3A_42 = arith.addi %add3A_41, %mul3A_40 : i32
      %multiple_of3A_43 = tpu.assume_multiple %add3A_42, 16 : i32
      %get3A_44 = arith.index_cast %multiple_of3A_43 : i32 to index
      %get3A_45 = tpu.vector_load %arg8[%get3A_44] {strides = array<i32>} : memref<12288xf32, #tpu.memory_space<vmem>>, vector<16xf32>,
      %sub3A_46 = arith.subf %gather3A_38, %get3A_45 : vector<16xf32>
      %swap3A_47 = arith.index_cast %multiple_of3A_43 : i32 to index
      %swap3A_48 = tpu.vector_load %arg9[%swap3A_47] {strides = array<i32>} : memref<12288xf32, #tpu.memory_space<vmem>>, vector<16xf32>,
      tpu.vector_store %arg9[%swap3A_47], %sub3A_46 {strides = array<i32>} : memref<12288xf32, #tpu.memory_space<vmem>>, vector<16xf32>,
    }
    %scan3A_5 = arith.constant 256 : i32
    "tpu.region"() ({
      %run_scoped3A = tpu.sem_alloc : memref<!tpu.dma_semaphore, #tpu.memory_space<semaphore_mem>>
      %dma_start3A = arith.constant 0 : i32
      %dma_start3A_6 = tpu.memref_slice %arg5[%add3A, %dma_start3A] : memref<32x12288xf32, #tpu.memory_space<hbm>> -> memref<1x12288xf32, #tpu.memory_space<hbm>>
      %dma_start3A_7 = tpu.memref_squeeze %dma_start3A_6 : memref<1x12288xf32, #tpu.memory_space<hbm>> -> memref<12288xf32, #tpu.memory_space<hbm>>
      %dma_start3A_8 = arith.constant 0 : i32
      %dma_start3A_9 = tpu.memref_slice %arg5[%add3A, %dma_start3A_8] : memref<32x12288xf32, #tpu.memory_space<hbm>> -> memref<1x12288xf32, #tpu.memory_space<hbm>>
      %dma_start3A_10 = tpu.memref_squeeze %dma_start3A_9 : memref<1x12288xf32, #tpu.memory_space<hbm>> -> memref<12288xf32, #tpu.memory_space<hbm>>
      tpu.enqueue_dma source(%arg9 : memref<12288xf32, #tpu.memory_space<vmem>>) target(%dma_start3A_10 : memref<12288xf32, #tpu.memory_space<hbm>>) target_semaphore(%run_scoped3A : memref<!tpu.dma_semaphore, #tpu.memory_space<semaphore_mem>>)
      %dma_wait3A = arith.constant 0 : i32
      %dma_wait3A_11 = tpu.memref_slice %arg5[%add3A, %dma_wait3A] : memref<32x12288xf32, #tpu.memory_space<hbm>> -> memref<1x12288xf32, #tpu.memory_space<hbm>>
      %dma_wait3A_12 = tpu.memref_squeeze %dma_wait3A_11 : memref<1x12288xf32, #tpu.memory_space<hbm>> -> memref<12288xf32, #tpu.memory_space<hbm>>
      %dma_wait3A_13 = arith.constant 0 : i32
      %dma_wait3A_14 = tpu.memref_slice %arg5[%add3A, %dma_wait3A_13] : memref<32x12288xf32, #tpu.memory_space<hbm>> -> memref<1x12288xf32, #tpu.memory_space<hbm>>
      %dma_wait3A_15 = tpu.memref_squeeze %dma_wait3A_14 : memref<1x12288xf32, #tpu.memory_space<hbm>> -> memref<12288xf32, #tpu.memory_space<hbm>>
      tpu.wait_dma2 semaphore(%run_scoped3A : memref<!tpu.dma_semaphore, #tpu.memory_space<semaphore_mem>>) src(%arg9 : memref<12288xf32, #tpu.memory_space<vmem>>) dst(%dma_wait3A_15 : memref<12288xf32, #tpu.memory_space<hbm>>)
      tpu.yield
    }) : () -> ()
    return
  }
}

module attributes {stable_mosaic.version = 14 : i64} {
  func.func @_fps_body(%arg0: memref<3x8x8192xf32, #tpu.memory_space<vmem>>, %arg1: memref<3x8x416xf32, #tpu.memory_space<vmem>>) attributes {dimension_semantics = [], scalar_prefetch = 0 : i64, scratch_operands = 0 : i64, tpu.core_type = #tpu.core_type<tc>} {
    %get3A = arith.constant 0 : index
    %get3A_0 = arith.constant 0 : index
    %get3A_1 = arith.constant 0 : index
    %get3A_2 = vector.load %arg0[%get3A, %get3A_0, %get3A_1] : memref<3x8x8192xf32, #tpu.memory_space<vmem>>, vector<1x8x8192xf32>
    %get3A_3 = vector.shape_cast %get3A_2 : vector<1x8x8192xf32> to vector<8x8192xf32>
    %get3A_4 = arith.constant 1 : index
    %get3A_5 = arith.constant 0 : index
    %get3A_6 = arith.constant 0 : index
    %get3A_7 = vector.load %arg0[%get3A_4, %get3A_5, %get3A_6] : memref<3x8x8192xf32, #tpu.memory_space<vmem>>, vector<1x8x8192xf32>
    %get3A_8 = vector.shape_cast %get3A_7 : vector<1x8x8192xf32> to vector<8x8192xf32>
    %get3A_9 = arith.constant 2 : index
    %get3A_10 = arith.constant 0 : index
    %get3A_11 = arith.constant 0 : index
    %get3A_12 = vector.load %arg0[%get3A_9, %get3A_10, %get3A_11] : memref<3x8x8192xf32, #tpu.memory_space<vmem>>, vector<1x8x8192xf32>
    %get3A_13 = vector.shape_cast %get3A_12 : vector<1x8x8192xf32> to vector<8x8192xf32>
    %iota3A = tpu.iota {dimensions = array<i32: 1>} : vector<8x8192xi32>
    %iota3A_14 = tpu.iota {dimensions = array<i32: 1>} : vector<8x416xi32>
    %broadcast_in_dim3A = arith.constant 1.000000e+10 : f32
    %broadcast_in_dim3A_15 = vector.broadcast %broadcast_in_dim3A : f32 to vector<8x8192xf32>
    %broadcast_in_dim3A_16 = arith.constant 0 : i32
    %broadcast_in_dim3A_17 = vector.broadcast %broadcast_in_dim3A_16 : i32 to vector<8x1xi32>
    %broadcast_in_dim3A_18 = arith.constant 0.000000e+00 : f32
    %broadcast_in_dim3A_19 = vector.broadcast %broadcast_in_dim3A_18 : f32 to vector<8x416xf32>
    %scan3A = arith.constant 1 : i32
    %scan3A_20 = arith.constant 416 : i32
    %scan3A_21 = arith.addi %scan3A, %scan3A_20 : i32
    %scan3A_22 = arith.constant 1 : i32
    %scan3A_23:5 = scf.for %scan3A_42 = %scan3A to %scan3A_21 step %scan3A_22 iter_args(%scan3A_43 = %broadcast_in_dim3A_15, %scan3A_44 = %broadcast_in_dim3A_17, %scan3A_45 = %broadcast_in_dim3A_19, %scan3A_46 = %broadcast_in_dim3A_19, %scan3A_47 = %broadcast_in_dim3A_19) -> (vector<8x8192xf32>, vector<8x1xi32>, vector<8x416xf32>, vector<8x416xf32>, vector<8x416xf32>)  : i32 {
      %eq3A = vector.broadcast %scan3A_44 : vector<8x1xi32> to vector<8x8192xi32>
      %eq3A_48 = arith.cmpi eq, %iota3A, %eq3A : vector<8x8192xi32>
      %jit3A = arith.constant 0.000000e+00 : f32
      %broadcast_in_dim3A_49 = vector.broadcast %jit3A : f32 to vector<8x8192xf32>
      %select_n3A = arith.select %eq3A_48, %get3A_3, %broadcast_in_dim3A_49 : vector<8x8192xi1>, vector<8x8192xf32>
      %reduce_sum3A = arith.constant dense<0.000000e+00> : vector<8xf32>
      %reduce_sum3A_50 = vector.multi_reduction <add>, %select_n3A, %reduce_sum3A [1] : vector<8x8192xf32> to vector<8xf32>
      %broadcast_in_dim3A_51 = vector.shape_cast %reduce_sum3A_50 : vector<8xf32> to vector<8x1xf32>
      %jit3A_52 = arith.constant 0.000000e+00 : f32
      %broadcast_in_dim3A_53 = vector.broadcast %jit3A_52 : f32 to vector<8x8192xf32>
      %select_n3A_54 = arith.select %eq3A_48, %get3A_8, %broadcast_in_dim3A_53 : vector<8x8192xi1>, vector<8x8192xf32>
      %reduce_sum3A_55 = arith.constant dense<0.000000e+00> : vector<8xf32>
      %reduce_sum3A_56 = vector.multi_reduction <add>, %select_n3A_54, %reduce_sum3A_55 [1] : vector<8x8192xf32> to vector<8xf32>
      %broadcast_in_dim3A_57 = vector.shape_cast %reduce_sum3A_56 : vector<8xf32> to vector<8x1xf32>
      %jit3A_58 = arith.constant 0.000000e+00 : f32
      %broadcast_in_dim3A_59 = vector.broadcast %jit3A_58 : f32 to vector<8x8192xf32>
      %select_n3A_60 = arith.select %eq3A_48, %get3A_13, %broadcast_in_dim3A_59 : vector<8x8192xi1>, vector<8x8192xf32>
      %reduce_sum3A_61 = arith.constant dense<0.000000e+00> : vector<8xf32>
      %reduce_sum3A_62 = vector.multi_reduction <add>, %select_n3A_60, %reduce_sum3A_61 [1] : vector<8x8192xf32> to vector<8xf32>
      %broadcast_in_dim3A_63 = vector.shape_cast %reduce_sum3A_62 : vector<8xf32> to vector<8x1xf32>
      %sub3A = arith.constant 1 : i32
      %sub3A_64 = arith.subi %scan3A_42, %sub3A : i32
      %eq3A_65 = vector.broadcast %sub3A_64 : i32 to vector<8x416xi32>
      %eq3A_66 = arith.cmpi eq, %iota3A_14, %eq3A_65 : vector<8x416xi32>
      %broadcast_in_dim3A_67 = vector.shape_cast %broadcast_in_dim3A_51 : vector<8x1xf32> to vector<8x1xf32>
      %broadcast_in_dim3A_68 = vector.broadcast %broadcast_in_dim3A_67 : vector<8x1xf32> to vector<8x416xf32>
      %select_n3A_69 = arith.select %eq3A_66, %broadcast_in_dim3A_68, %scan3A_45 : vector<8x416xi1>, vector<8x416xf32>
      %broadcast_in_dim3A_70 = vector.shape_cast %broadcast_in_dim3A_57 : vector<8x1xf32> to vector<8x1xf32>
      %broadcast_in_dim3A_71 = vector.broadcast %broadcast_in_dim3A_70 : vector<8x1xf32> to vector<8x416xf32>
      %select_n3A_72 = arith.select %eq3A_66, %broadcast_in_dim3A_71, %scan3A_46 : vector<8x416xi1>, vector<8x416xf32>
      %broadcast_in_dim3A_73 = vector.shape_cast %broadcast_in_dim3A_63 : vector<8x1xf32> to vector<8x1xf32>
      %broadcast_in_dim3A_74 = vector.broadcast %broadcast_in_dim3A_73 : vector<8x1xf32> to vector<8x416xf32>
      %select_n3A_75 = arith.select %eq3A_66, %broadcast_in_dim3A_74, %scan3A_47 : vector<8x416xi1>, vector<8x416xf32>
      %sub3A_76 = vector.broadcast %broadcast_in_dim3A_51 : vector<8x1xf32> to vector<8x8192xf32>
      %sub3A_77 = arith.subf %get3A_3, %sub3A_76 : vector<8x8192xf32>
      %sub3A_78 = vector.broadcast %broadcast_in_dim3A_57 : vector<8x1xf32> to vector<8x8192xf32>
      %sub3A_79 = arith.subf %get3A_8, %sub3A_78 : vector<8x8192xf32>
      %sub3A_80 = vector.broadcast %broadcast_in_dim3A_63 : vector<8x1xf32> to vector<8x8192xf32>
      %sub3A_81 = arith.subf %get3A_13, %sub3A_80 : vector<8x8192xf32>
      %mul3A = arith.mulf %sub3A_77, %sub3A_77 : vector<8x8192xf32>
      %mul3A_82 = arith.mulf %sub3A_79, %sub3A_79 : vector<8x8192xf32>
      %add3A = arith.addf %mul3A, %mul3A_82 : vector<8x8192xf32>
      %mul3A_83 = arith.mulf %sub3A_81, %sub3A_81 : vector<8x8192xf32>
      %add3A_84 = arith.addf %add3A, %mul3A_83 : vector<8x8192xf32>
      %min3A = arith.minimumf %scan3A_43, %add3A_84 : vector<8x8192xf32>
      %reduce_max3A = arith.constant dense<0xFF800000> : vector<8xf32>
      %reduce_max3A_85 = vector.multi_reduction <maximumf>, %min3A, %reduce_max3A [1] : vector<8x8192xf32> to vector<8xf32>
      %broadcast_in_dim3A_86 = vector.shape_cast %reduce_max3A_85 : vector<8xf32> to vector<8x1xf32>
      %eq3A_87 = vector.broadcast %broadcast_in_dim3A_86 : vector<8x1xf32> to vector<8x8192xf32>
      %eq3A_88 = arith.cmpf oeq, %min3A, %eq3A_87 : vector<8x8192xf32>
      %jit3A_89 = arith.constant 8192 : i32
      %broadcast_in_dim3A_90 = vector.broadcast %jit3A_89 : i32 to vector<8x8192xi32>
      %select_n3A_91 = arith.select %eq3A_88, %iota3A, %broadcast_in_dim3A_90 : vector<8x8192xi1>, vector<8x8192xi32>
      %reduce_min3A = arith.constant dense<2147483647> : vector<8xi32>
      %reduce_min3A_92 = vector.multi_reduction <minsi>, %select_n3A_91, %reduce_min3A [1] : vector<8x8192xi32> to vector<8xi32>
      %broadcast_in_dim3A_93 = vector.shape_cast %reduce_min3A_92 : vector<8xi32> to vector<8x1xi32>
      scf.yield %min3A, %broadcast_in_dim3A_93, %select_n3A_69, %select_n3A_72, %select_n3A_75 : vector<8x8192xf32>, vector<8x1xi32>, vector<8x416xf32>, vector<8x416xf32>, vector<8x416xf32>
    }
    %scan3A_24 = arith.constant 416 : i32
    %swap3A = arith.constant 0 : index
    %swap3A_25 = arith.constant 0 : index
    %swap3A_26 = arith.constant 0 : index
    %swap3A_27 = vector.load %arg1[%swap3A, %swap3A_25, %swap3A_26] : memref<3x8x416xf32, #tpu.memory_space<vmem>>, vector<1x8x416xf32>
    %swap3A_28 = vector.shape_cast %swap3A_27 : vector<1x8x416xf32> to vector<8x416xf32>
    %swap3A_29 = vector.shape_cast %scan3A_23#2 : vector<8x416xf32> to vector<1x8x416xf32>
    tpu.vector_store %arg1[%swap3A, %swap3A_25, %swap3A_26], %swap3A_29 {strides = array<i32>} : memref<3x8x416xf32, #tpu.memory_space<vmem>>, vector<1x8x416xf32>,
    %swap3A_30 = arith.constant 1 : index
    %swap3A_31 = arith.constant 0 : index
    %swap3A_32 = arith.constant 0 : index
    %swap3A_33 = vector.load %arg1[%swap3A_30, %swap3A_31, %swap3A_32] : memref<3x8x416xf32, #tpu.memory_space<vmem>>, vector<1x8x416xf32>
    %swap3A_34 = vector.shape_cast %swap3A_33 : vector<1x8x416xf32> to vector<8x416xf32>
    %swap3A_35 = vector.shape_cast %scan3A_23#3 : vector<8x416xf32> to vector<1x8x416xf32>
    tpu.vector_store %arg1[%swap3A_30, %swap3A_31, %swap3A_32], %swap3A_35 {strides = array<i32>} : memref<3x8x416xf32, #tpu.memory_space<vmem>>, vector<1x8x416xf32>,
    %swap3A_36 = arith.constant 2 : index
    %swap3A_37 = arith.constant 0 : index
    %swap3A_38 = arith.constant 0 : index
    %swap3A_39 = vector.load %arg1[%swap3A_36, %swap3A_37, %swap3A_38] : memref<3x8x416xf32, #tpu.memory_space<vmem>>, vector<1x8x416xf32>
    %swap3A_40 = vector.shape_cast %swap3A_39 : vector<1x8x416xf32> to vector<8x416xf32>
    %swap3A_41 = vector.shape_cast %scan3A_23#4 : vector<8x416xf32> to vector<1x8x416xf32>
    tpu.vector_store %arg1[%swap3A_36, %swap3A_37, %swap3A_38], %swap3A_41 {strides = array<i32>} : memref<3x8x416xf32, #tpu.memory_space<vmem>>, vector<1x8x416xf32>,
    return
  }
}

module attributes {stable_mosaic.version = 14 : i64} {
  func.func @_knn_body(%arg0: i32, %arg1: memref<1x3x8192xf32, #tpu.memory_space<vmem>>, %arg2: memref<1x128x3xf32, #tpu.memory_space<vmem>>, %arg3: memref<1x128x32xi32, #tpu.memory_space<vmem>>) attributes {dimension_semantics = [#tpu.dimension_semantics<arbitrary>], iteration_bounds = array<i64: 32>, scalar_prefetch = 0 : i64, scratch_operands = 0 : i64, tpu.core_type = #tpu.core_type<tc>, window_params = [{transform_indices = @transform_0, window_bounds = array<i64: 1, 3, 8192>}, {transform_indices = @transform_1, window_bounds = array<i64: 1, 128, 3>}, {transform_indices = @transform_2, window_bounds = array<i64: 1, 128, 32>}]} {
    %get3A = arith.constant 0 : index
    %get3A_0 = arith.constant 0 : index
    %get3A_1 = arith.constant 0 : index
    %get3A_2 = vector.load %arg1[%get3A, %get3A_0, %get3A_1] : memref<1x3x8192xf32, #tpu.memory_space<vmem>>, vector<1x3x8192xf32>
    %get3A_3 = vector.shape_cast %get3A_2 : vector<1x3x8192xf32> to vector<3x8192xf32>
    %get3A_4 = arith.constant 0 : index
    %get3A_5 = arith.constant 0 : index
    %get3A_6 = arith.constant 0 : index
    %get3A_7 = vector.load %arg2[%get3A_4, %get3A_5, %get3A_6] : memref<1x128x3xf32, #tpu.memory_space<vmem>>, vector<1x128x3xf32>
    %get3A_8 = vector.shape_cast %get3A_7 : vector<1x128x3xf32> to vector<128x3xf32>
    %slice3A = vector.extract_strided_slice %get3A_3 {offsets = [0, 0], sizes = [1, 8192], strides = [1, 1]} : vector<3x8192xf32> to vector<1x8192xf32>
    %slice3A_9 = vector.extract_strided_slice %get3A_3 {offsets = [1, 0], sizes = [1, 8192], strides = [1, 1]} : vector<3x8192xf32> to vector<1x8192xf32>
    %slice3A_10 = vector.extract_strided_slice %get3A_3 {offsets = [2, 0], sizes = [1, 8192], strides = [1, 1]} : vector<3x8192xf32> to vector<1x8192xf32>
    %slice3A_11 = vector.extract_strided_slice %get3A_8 {offsets = [0, 0], sizes = [128, 1], strides = [1, 1]} : vector<128x3xf32> to vector<128x1xf32>
    %slice3A_12 = vector.extract_strided_slice %get3A_8 {offsets = [0, 1], sizes = [128, 1], strides = [1, 1]} : vector<128x3xf32> to vector<128x1xf32>
    %slice3A_13 = vector.extract_strided_slice %get3A_8 {offsets = [0, 2], sizes = [128, 1], strides = [1, 1]} : vector<128x3xf32> to vector<128x1xf32>
    %convert_element_type3A = arith.truncf %get3A_3 : vector<3x8192xf32> to vector<3x8192xbf16>
    %convert_element_type3A_14 = arith.extf %convert_element_type3A : vector<3x8192xbf16> to vector<3x8192xf32>
    %convert_element_type3A_15 = arith.truncf %get3A_8 : vector<128x3xf32> to vector<128x3xbf16>
    %convert_element_type3A_16 = arith.extf %convert_element_type3A_15 : vector<128x3xbf16> to vector<128x3xf32>
    %slice3A_17 = vector.extract_strided_slice %convert_element_type3A_14 {offsets = [0, 0], sizes = [1, 8192], strides = [1, 1]} : vector<3x8192xf32> to vector<1x8192xf32>
    %slice3A_18 = vector.extract_strided_slice %convert_element_type3A_14 {offsets = [1, 0], sizes = [1, 8192], strides = [1, 1]} : vector<3x8192xf32> to vector<1x8192xf32>
    %slice3A_19 = vector.extract_strided_slice %convert_element_type3A_14 {offsets = [2, 0], sizes = [1, 8192], strides = [1, 1]} : vector<3x8192xf32> to vector<1x8192xf32>
    %slice3A_20 = vector.extract_strided_slice %convert_element_type3A_16 {offsets = [0, 0], sizes = [128, 1], strides = [1, 1]} : vector<128x3xf32> to vector<128x1xf32>
    %slice3A_21 = vector.extract_strided_slice %convert_element_type3A_16 {offsets = [0, 1], sizes = [128, 1], strides = [1, 1]} : vector<128x3xf32> to vector<128x1xf32>
    %slice3A_22 = vector.extract_strided_slice %convert_element_type3A_16 {offsets = [0, 2], sizes = [128, 1], strides = [1, 1]} : vector<128x3xf32> to vector<128x1xf32>
    %mul3A = vector.broadcast %slice3A_20 : vector<128x1xf32> to vector<128x8192xf32>
    %mul3A_23 = vector.broadcast %slice3A_17 : vector<1x8192xf32> to vector<128x8192xf32>
    %mul3A_24 = arith.mulf %mul3A, %mul3A_23 : vector<128x8192xf32>
    %mul3A_25 = vector.broadcast %slice3A_21 : vector<128x1xf32> to vector<128x8192xf32>
    %mul3A_26 = vector.broadcast %slice3A_18 : vector<1x8192xf32> to vector<128x8192xf32>
    %mul3A_27 = arith.mulf %mul3A_25, %mul3A_26 : vector<128x8192xf32>
    %add3A = arith.addf %mul3A_24, %mul3A_27 : vector<128x8192xf32>
    %mul3A_28 = vector.broadcast %slice3A_22 : vector<128x1xf32> to vector<128x8192xf32>
    %mul3A_29 = vector.broadcast %slice3A_19 : vector<1x8192xf32> to vector<128x8192xf32>
    %mul3A_30 = arith.mulf %mul3A_28, %mul3A_29 : vector<128x8192xf32>
    %add3A_31 = arith.addf %add3A, %mul3A_30 : vector<128x8192xf32>
    %mul3A_32 = arith.mulf %slice3A_11, %slice3A_11 : vector<128x1xf32>
    %mul3A_33 = arith.mulf %slice3A_12, %slice3A_12 : vector<128x1xf32>
    %add3A_34 = arith.addf %mul3A_32, %mul3A_33 : vector<128x1xf32>
    %mul3A_35 = arith.mulf %slice3A_13, %slice3A_13 : vector<128x1xf32>
    %add3A_36 = arith.addf %add3A_34, %mul3A_35 : vector<128x1xf32>
    %mul3A_37 = arith.mulf %slice3A, %slice3A : vector<1x8192xf32>
    %mul3A_38 = arith.mulf %slice3A_9, %slice3A_9 : vector<1x8192xf32>
    %add3A_39 = arith.addf %mul3A_37, %mul3A_38 : vector<1x8192xf32>
    %mul3A_40 = arith.mulf %slice3A_10, %slice3A_10 : vector<1x8192xf32>
    %add3A_41 = arith.addf %add3A_39, %mul3A_40 : vector<1x8192xf32>
    %mul3A_42 = arith.constant 2.000000e+00 : f32
    %mul3A_43 = vector.broadcast %mul3A_42 : f32 to vector<128x8192xf32>
    %mul3A_44 = arith.mulf %mul3A_43, %add3A_31 : vector<128x8192xf32>
    %sub3A = vector.broadcast %add3A_36 : vector<128x1xf32> to vector<128x8192xf32>
    %sub3A_45 = arith.subf %sub3A, %mul3A_44 : vector<128x8192xf32>
    %add3A_46 = vector.broadcast %add3A_41 : vector<1x8192xf32> to vector<128x8192xf32>
    %add3A_47 = arith.addf %sub3A_45, %add3A_46 : vector<128x8192xf32>
    %iota3A = tpu.iota {dimensions = array<i32: 1>} : vector<128x8192xi32>
    %reduce_min3A = arith.constant dense<0x7F800000> : vector<128xf32>
    %reduce_min3A_48 = vector.multi_reduction <minimumf>, %add3A_47, %reduce_min3A [1] : vector<128x8192xf32> to vector<128xf32>
    %broadcast_in_dim3A = vector.shape_cast %reduce_min3A_48 : vector<128xf32> to vector<128x1xf32>
    %eq3A = vector.broadcast %broadcast_in_dim3A : vector<128x1xf32> to vector<128x8192xf32>
    %eq3A_49 = arith.cmpf oeq, %add3A_47, %eq3A : vector<128x8192xf32>
    %jit3A = arith.constant 8192 : i32
    %broadcast_in_dim3A_50 = vector.broadcast %jit3A : i32 to vector<128x8192xi32>
    %select_n3A = arith.select %eq3A_49, %iota3A, %broadcast_in_dim3A_50 : vector<128x8192xi1>, vector<128x8192xi32>
    %reduce_min3A_51 = arith.constant dense<2147483647> : vector<128xi32>
    %reduce_min3A_52 = vector.multi_reduction <minsi>, %select_n3A, %reduce_min3A_51 [1] : vector<128x8192xi32> to vector<128xi32>
    %broadcast_in_dim3A_53 = vector.shape_cast %reduce_min3A_52 : vector<128xi32> to vector<128x1xi32>
    %swap3A = arith.constant 0 : index
    %swap3A_54 = arith.constant 0 : index
    %swap3A_55 = arith.constant 0 : index
    %swap3A_56 = vector.load %arg3[%swap3A, %swap3A_54, %swap3A_55] : memref<1x128x32xi32, #tpu.memory_space<vmem>>, vector<1x128x1xi32>
    %swap3A_57 = vector.shape_cast %swap3A_56 : vector<1x128x1xi32> to vector<128x1xi32>
    %swap3A_58 = vector.shape_cast %broadcast_in_dim3A_53 : vector<128x1xi32> to vector<1x128x1xi32>
    tpu.vector_store %arg3[%swap3A, %swap3A_54, %swap3A_55], %swap3A_58 {strides = array<i32>} : memref<1x128x32xi32, #tpu.memory_space<vmem>>, vector<1x128x1xi32>,
    %eq3A_59 = vector.broadcast %broadcast_in_dim3A_53 : vector<128x1xi32> to vector<128x8192xi32>
    %eq3A_60 = arith.cmpi eq, %iota3A, %eq3A_59 : vector<128x8192xi32>
    %jit3A_61 = arith.constant 0x7F800000 : f32
    %broadcast_in_dim3A_62 = vector.broadcast %jit3A_61 : f32 to vector<128x8192xf32>
    %select_n3A_63 = arith.select %eq3A_60, %broadcast_in_dim3A_62, %add3A_47 : vector<128x8192xi1>, vector<128x8192xf32>
    %reduce_min3A_64 = arith.constant dense<0x7F800000> : vector<128xf32>
    %reduce_min3A_65 = vector.multi_reduction <minimumf>, %select_n3A_63, %reduce_min3A_64 [1] : vector<128x8192xf32> to vector<128xf32>
    %broadcast_in_dim3A_66 = vector.shape_cast %reduce_min3A_65 : vector<128xf32> to vector<128x1xf32>
    %eq3A_67 = vector.broadcast %broadcast_in_dim3A_66 : vector<128x1xf32> to vector<128x8192xf32>
    %eq3A_68 = arith.cmpf oeq, %select_n3A_63, %eq3A_67 : vector<128x8192xf32>
    %jit3A_69 = arith.constant 8192 : i32
    %broadcast_in_dim3A_70 = vector.broadcast %jit3A_69 : i32 to vector<128x8192xi32>
    %select_n3A_71 = arith.select %eq3A_68, %iota3A, %broadcast_in_dim3A_70 : vector<128x8192xi1>, vector<128x8192xi32>
    %reduce_min3A_72 = arith.constant dense<2147483647> : vector<128xi32>
    %reduce_min3A_73 = vector.multi_reduction <minsi>, %select_n3A_71, %reduce_min3A_72 [1] : vector<128x8192xi32> to vector<128xi32>
    %broadcast_in_dim3A_74 = vector.shape_cast %reduce_min3A_73 : vector<128xi32> to vector<128x1xi32>
    %swap3A_75 = arith.constant 0 : index
    %swap3A_76 = arith.constant 0 : index
    %swap3A_77 = arith.constant 1 : index
    %swap3A_78 = vector.load %arg3[%swap3A_75, %swap3A_76, %swap3A_77] : memref<1x128x32xi32, #tpu.memory_space<vmem>>, vector<1x128x1xi32>
    %swap3A_79 = vector.shape_cast %swap3A_78 : vector<1x128x1xi32> to vector<128x1xi32>
    %swap3A_80 = vector.shape_cast %broadcast_in_dim3A_74 : vector<128x1xi32> to vector<1x128x1xi32>
    tpu.vector_store %arg3[%swap3A_75, %swap3A_76, %swap3A_77], %swap3A_80 {strides = array<i32>} : memref<1x128x32xi32, #tpu.memory_space<vmem>>, vector<1x128x1xi32>,
    %eq3A_81 = vector.broadcast %broadcast_in_dim3A_74 : vector<128x1xi32> to vector<128x8192xi32>
    %eq3A_82 = arith.cmpi eq, %iota3A, %eq3A_81 : vector<128x8192xi32>
    %jit3A_83 = arith.constant 0x7F800000 : f32
    %broadcast_in_dim3A_84 = vector.broadcast %jit3A_83 : f32 to vector<128x8192xf32>
    %select_n3A_85 = arith.select %eq3A_82, %broadcast_in_dim3A_84, %select_n3A_63 : vector<128x8192xi1>, vector<128x8192xf32>
    %reduce_min3A_86 = arith.constant dense<0x7F800000> : vector<128xf32>
    %reduce_min3A_87 = vector.multi_reduction <minimumf>, %select_n3A_85, %reduce_min3A_86 [1] : vector<128x8192xf32> to vector<128xf32>
    %broadcast_in_dim3A_88 = vector.shape_cast %reduce_min3A_87 : vector<128xf32> to vector<128x1xf32>
    %eq3A_89 = vector.broadcast %broadcast_in_dim3A_88 : vector<128x1xf32> to vector<128x8192xf32>
    %eq3A_90 = arith.cmpf oeq, %select_n3A_85, %eq3A_89 : vector<128x8192xf32>
    %jit3A_91 = arith.constant 8192 : i32
    %broadcast_in_dim3A_92 = vector.broadcast %jit3A_91 : i32 to vector<128x8192xi32>
    %select_n3A_93 = arith.select %eq3A_90, %iota3A, %broadcast_in_dim3A_92 : vector<128x8192xi1>, vector<128x8192xi32>
    %reduce_min3A_94 = arith.constant dense<2147483647> : vector<128xi32>
    %reduce_min3A_95 = vector.multi_reduction <minsi>, %select_n3A_93, %reduce_min3A_94 [1] : vector<128x8192xi32> to vector<128xi32>
    %broadcast_in_dim3A_96 = vector.shape_cast %reduce_min3A_95 : vector<128xi32> to vector<128x1xi32>
    %swap3A_97 = arith.constant 0 : index
    %swap3A_98 = arith.constant 0 : index
    %swap3A_99 = arith.constant 2 : index
    %swap3A_100 = vector.load %arg3[%swap3A_97, %swap3A_98, %swap3A_99] : memref<1x128x32xi32, #tpu.memory_space<vmem>>, vector<1x128x1xi32>
    %swap3A_101 = vector.shape_cast %swap3A_100 : vector<1x128x1xi32> to vector<128x1xi32>
    %swap3A_102 = vector.shape_cast %broadcast_in_dim3A_96 : vector<128x1xi32> to vector<1x128x1xi32>
    tpu.vector_store %arg3[%swap3A_97, %swap3A_98, %swap3A_99], %swap3A_102 {strides = array<i32>} : memref<1x128x32xi32, #tpu.memory_space<vmem>>, vector<1x128x1xi32>,
    %eq3A_103 = vector.broadcast %broadcast_in_dim3A_96 : vector<128x1xi32> to vector<128x8192xi32>
    %eq3A_104 = arith.cmpi eq, %iota3A, %eq3A_103 : vector<128x8192xi32>
    %jit3A_105 = arith.constant 0x7F800000 : f32
    %broadcast_in_dim3A_106 = vector.broadcast %jit3A_105 : f32 to vector<128x8192xf32>
    %select_n3A_107 = arith.select %eq3A_104, %broadcast_in_dim3A_106, %select_n3A_85 : vector<128x8192xi1>, vector<128x8192xf32>
    %reduce_min3A_108 = arith.constant dense<0x7F800000> : vector<128xf32>
    %reduce_min3A_109 = vector.multi_reduction <minimumf>, %select_n3A_107, %reduce_min3A_108 [1] : vector<128x8192xf32> to vector<128xf32>
    %broadcast_in_dim3A_110 = vector.shape_cast %reduce_min3A_109 : vector<128xf32> to vector<128x1xf32>
    %eq3A_111 = vector.broadcast %broadcast_in_dim3A_110 : vector<128x1xf32> to vector<128x8192xf32>
    %eq3A_112 = arith.cmpf oeq, %select_n3A_107, %eq3A_111 : vector<128x8192xf32>
    %jit3A_113 = arith.constant 8192 : i32
    %broadcast_in_dim3A_114 = vector.broadcast %jit3A_113 : i32 to vector<128x8192xi32>
    %select_n3A_115 = arith.select %eq3A_112, %iota3A, %broadcast_in_dim3A_114 : vector<128x8192xi1>, vector<128x8192xi32>
    %reduce_min3A_116 = arith.constant dense<2147483647> : vector<128xi32>
    %reduce_min3A_117 = vector.multi_reduction <minsi>, %select_n3A_115, %reduce_min3A_116 [1] : vector<128x8192xi32> to vector<128xi32>
    %broadcast_in_dim3A_118 = vector.shape_cast %reduce_min3A_117 : vector<128xi32> to vector<128x1xi32>
    %swap3A_119 = arith.constant 0 : index
    %swap3A_120 = arith.constant 0 : index
    %swap3A_121 = arith.constant 3 : index
    %swap3A_122 = vector.load %arg3[%swap3A_119, %swap3A_120, %swap3A_121] : memref<1x128x32xi32, #tpu.memory_space<vmem>>, vector<1x128x1xi32>
    %swap3A_123 = vector.shape_cast %swap3A_122 : vector<1x128x1xi32> to vector<128x1xi32>
    %swap3A_124 = vector.shape_cast %broadcast_in_dim3A_118 : vector<128x1xi32> to vector<1x128x1xi32>
    tpu.vector_store %arg3[%swap3A_119, %swap3A_120, %swap3A_121], %swap3A_124 {strides = array<i32>} : memref<1x128x32xi32, #tpu.memory_space<vmem>>, vector<1x128x1xi32>,
    %eq3A_125 = vector.broadcast %broadcast_in_dim3A_118 : vector<128x1xi32> to vector<128x8192xi32>
    %eq3A_126 = arith.cmpi eq, %iota3A, %eq3A_125 : vector<128x8192xi32>
    %jit3A_127 = arith.constant 0x7F800000 : f32
    %broadcast_in_dim3A_128 = vector.broadcast %jit3A_127 : f32 to vector<128x8192xf32>
    %select_n3A_129 = arith.select %eq3A_126, %broadcast_in_dim3A_128, %select_n3A_107 : vector<128x8192xi1>, vector<128x8192xf32>
    %reduce_min3A_130 = arith.constant dense<0x7F800000> : vector<128xf32>
    %reduce_min3A_131 = vector.multi_reduction <minimumf>, %select_n3A_129, %reduce_min3A_130 [1] : vector<128x8192xf32> to vector<128xf32>
    %broadcast_in_dim3A_132 = vector.shape_cast %reduce_min3A_131 : vector<128xf32> to vector<128x1xf32>
    %eq3A_133 = vector.broadcast %broadcast_in_dim3A_132 : vector<128x1xf32> to vector<128x8192xf32>
    %eq3A_134 = arith.cmpf oeq, %select_n3A_129, %eq3A_133 : vector<128x8192xf32>
    %jit3A_135 = arith.constant 8192 : i32
    %broadcast_in_dim3A_136 = vector.broadcast %jit3A_135 : i32 to vector<128x8192xi32>
    %select_n3A_137 = arith.select %eq3A_134, %iota3A, %broadcast_in_dim3A_136 : vector<128x8192xi1>, vector<128x8192xi32>
    %reduce_min3A_138 = arith.constant dense<2147483647> : vector<128xi32>
    %reduce_min3A_139 = vector.multi_reduction <minsi>, %select_n3A_137, %reduce_min3A_138 [1] : vector<128x8192xi32> to vector<128xi32>
    %broadcast_in_dim3A_140 = vector.shape_cast %reduce_min3A_139 : vector<128xi32> to vector<128x1xi32>
    %swap3A_141 = arith.constant 0 : index
    %swap3A_142 = arith.constant 0 : index
    %swap3A_143 = arith.constant 4 : index
    %swap3A_144 = vector.load %arg3[%swap3A_141, %swap3A_142, %swap3A_143] : memref<1x128x32xi32, #tpu.memory_space<vmem>>, vector<1x128x1xi32>
    %swap3A_145 = vector.shape_cast %swap3A_144 : vector<1x128x1xi32> to vector<128x1xi32>
    %swap3A_146 = vector.shape_cast %broadcast_in_dim3A_140 : vector<128x1xi32> to vector<1x128x1xi32>
    tpu.vector_store %arg3[%swap3A_141, %swap3A_142, %swap3A_143], %swap3A_146 {strides = array<i32>} : memref<1x128x32xi32, #tpu.memory_space<vmem>>, vector<1x128x1xi32>,
    %eq3A_147 = vector.broadcast %broadcast_in_dim3A_140 : vector<128x1xi32> to vector<128x8192xi32>
    %eq3A_148 = arith.cmpi eq, %iota3A, %eq3A_147 : vector<128x8192xi32>
    %jit3A_149 = arith.constant 0x7F800000 : f32
    %broadcast_in_dim3A_150 = vector.broadcast %jit3A_149 : f32 to vector<128x8192xf32>
    %select_n3A_151 = arith.select %eq3A_148, %broadcast_in_dim3A_150, %select_n3A_129 : vector<128x8192xi1>, vector<128x8192xf32>
    %reduce_min3A_152 = arith.constant dense<0x7F800000> : vector<128xf32>
    %reduce_min3A_153 = vector.multi_reduction <minimumf>, %select_n3A_151, %reduce_min3A_152 [1] : vector<128x8192xf32> to vector<128xf32>
    %broadcast_in_dim3A_154 = vector.shape_cast %reduce_min3A_153 : vector<128xf32> to vector<128x1xf32>
    %eq3A_155 = vector.broadcast %broadcast_in_dim3A_154 : vector<128x1xf32> to vector<128x8192xf32>
    %eq3A_156 = arith.cmpf oeq, %select_n3A_151, %eq3A_155 : vector<128x8192xf32>
    %jit3A_157 = arith.constant 8192 : i32
    %broadcast_in_dim3A_158 = vector.broadcast %jit3A_157 : i32 to vector<128x8192xi32>
    %select_n3A_159 = arith.select %eq3A_156, %iota3A, %broadcast_in_dim3A_158 : vector<128x8192xi1>, vector<128x8192xi32>
    %reduce_min3A_160 = arith.constant dense<2147483647> : vector<128xi32>
    %reduce_min3A_161 = vector.multi_reduction <minsi>, %select_n3A_159, %reduce_min3A_160 [1] : vector<128x8192xi32> to vector<128xi32>
    %broadcast_in_dim3A_162 = vector.shape_cast %reduce_min3A_161 : vector<128xi32> to vector<128x1xi32>
    %swap3A_163 = arith.constant 0 : index
    %swap3A_164 = arith.constant 0 : index
    %swap3A_165 = arith.constant 5 : index
    %swap3A_166 = vector.load %arg3[%swap3A_163, %swap3A_164, %swap3A_165] : memref<1x128x32xi32, #tpu.memory_space<vmem>>, vector<1x128x1xi32>
    %swap3A_167 = vector.shape_cast %swap3A_166 : vector<1x128x1xi32> to vector<128x1xi32>
    %swap3A_168 = vector.shape_cast %broadcast_in_dim3A_162 : vector<128x1xi32> to vector<1x128x1xi32>
    tpu.vector_store %arg3[%swap3A_163, %swap3A_164, %swap3A_165], %swap3A_168 {strides = array<i32>} : memref<1x128x32xi32, #tpu.memory_space<vmem>>, vector<1x128x1xi32>,
    %eq3A_169 = vector.broadcast %broadcast_in_dim3A_162 : vector<128x1xi32> to vector<128x8192xi32>
    %eq3A_170 = arith.cmpi eq, %iota3A, %eq3A_169 : vector<128x8192xi32>
    %jit3A_171 = arith.constant 0x7F800000 : f32
    %broadcast_in_dim3A_172 = vector.broadcast %jit3A_171 : f32 to vector<128x8192xf32>
    %select_n3A_173 = arith.select %eq3A_170, %broadcast_in_dim3A_172, %select_n3A_151 : vector<128x8192xi1>, vector<128x8192xf32>
    %reduce_min3A_174 = arith.constant dense<0x7F800000> : vector<128xf32>
    %reduce_min3A_175 = vector.multi_reduction <minimumf>, %select_n3A_173, %reduce_min3A_174 [1] : vector<128x8192xf32> to vector<128xf32>
    %broadcast_in_dim3A_176 = vector.shape_cast %reduce_min3A_175 : vector<128xf32> to vector<128x1xf32>
    %eq3A_177 = vector.broadcast %broadcast_in_dim3A_176 : vector<128x1xf32> to vector<128x8192xf32>
    %eq3A_178 = arith.cmpf oeq, %select_n3A_173, %eq3A_177 : vector<128x8192xf32>
    %jit3A_179 = arith.constant 8192 : i32
    %broadcast_in_dim3A_180 = vector.broadcast %jit3A_179 : i32 to vector<128x8192xi32>
    %select_n3A_181 = arith.select %eq3A_178, %iota3A, %broadcast_in_dim3A_180 : vector<128x8192xi1>, vector<128x8192xi32>
    %reduce_min3A_182 = arith.constant dense<2147483647> : vector<128xi32>
    %reduce_min3A_183 = vector.multi_reduction <minsi>, %select_n3A_181, %reduce_min3A_182 [1] : vector<128x8192xi32> to vector<128xi32>
    %broadcast_in_dim3A_184 = vector.shape_cast %reduce_min3A_183 : vector<128xi32> to vector<128x1xi32>
    %swap3A_185 = arith.constant 0 : index
    %swap3A_186 = arith.constant 0 : index
    %swap3A_187 = arith.constant 6 : index
    %swap3A_188 = vector.load %arg3[%swap3A_185, %swap3A_186, %swap3A_187] : memref<1x128x32xi32, #tpu.memory_space<vmem>>, vector<1x128x1xi32>
    %swap3A_189 = vector.shape_cast %swap3A_188 : vector<1x128x1xi32> to vector<128x1xi32>
    %swap3A_190 = vector.shape_cast %broadcast_in_dim3A_184 : vector<128x1xi32> to vector<1x128x1xi32>
    tpu.vector_store %arg3[%swap3A_185, %swap3A_186, %swap3A_187], %swap3A_190 {strides = array<i32>} : memref<1x128x32xi32, #tpu.memory_space<vmem>>, vector<1x128x1xi32>,
    %eq3A_191 = vector.broadcast %broadcast_in_dim3A_184 : vector<128x1xi32> to vector<128x8192xi32>
    %eq3A_192 = arith.cmpi eq, %iota3A, %eq3A_191 : vector<128x8192xi32>
    %jit3A_193 = arith.constant 0x7F800000 : f32
    %broadcast_in_dim3A_194 = vector.broadcast %jit3A_193 : f32 to vector<128x8192xf32>
    %select_n3A_195 = arith.select %eq3A_192, %broadcast_in_dim3A_194, %select_n3A_173 : vector<128x8192xi1>, vector<128x8192xf32>
    %reduce_min3A_196 = arith.constant dense<0x7F800000> : vector<128xf32>
    %reduce_min3A_197 = vector.multi_reduction <minimumf>, %select_n3A_195, %reduce_min3A_196 [1] : vector<128x8192xf32> to vector<128xf32>
    %broadcast_in_dim3A_198 = vector.shape_cast %reduce_min3A_197 : vector<128xf32> to vector<128x1xf32>
    %eq3A_199 = vector.broadcast %broadcast_in_dim3A_198 : vector<128x1xf32> to vector<128x8192xf32>
    %eq3A_200 = arith.cmpf oeq, %select_n3A_195, %eq3A_199 : vector<128x8192xf32>
    %jit3A_201 = arith.constant 8192 : i32
    %broadcast_in_dim3A_202 = vector.broadcast %jit3A_201 : i32 to vector<128x8192xi32>
    %select_n3A_203 = arith.select %eq3A_200, %iota3A, %broadcast_in_dim3A_202 : vector<128x8192xi1>, vector<128x8192xi32>
    %reduce_min3A_204 = arith.constant dense<2147483647> : vector<128xi32>
    %reduce_min3A_205 = vector.multi_reduction <minsi>, %select_n3A_203, %reduce_min3A_204 [1] : vector<128x8192xi32> to vector<128xi32>
    %broadcast_in_dim3A_206 = vector.shape_cast %reduce_min3A_205 : vector<128xi32> to vector<128x1xi32>
    %swap3A_207 = arith.constant 0 : index
    %swap3A_208 = arith.constant 0 : index
    %swap3A_209 = arith.constant 7 : index
    %swap3A_210 = vector.load %arg3[%swap3A_207, %swap3A_208, %swap3A_209] : memref<1x128x32xi32, #tpu.memory_space<vmem>>, vector<1x128x1xi32>
    %swap3A_211 = vector.shape_cast %swap3A_210 : vector<1x128x1xi32> to vector<128x1xi32>
    %swap3A_212 = vector.shape_cast %broadcast_in_dim3A_206 : vector<128x1xi32> to vector<1x128x1xi32>
    tpu.vector_store %arg3[%swap3A_207, %swap3A_208, %swap3A_209], %swap3A_212 {strides = array<i32>} : memref<1x128x32xi32, #tpu.memory_space<vmem>>, vector<1x128x1xi32>,
    %eq3A_213 = vector.broadcast %broadcast_in_dim3A_206 : vector<128x1xi32> to vector<128x8192xi32>
    %eq3A_214 = arith.cmpi eq, %iota3A, %eq3A_213 : vector<128x8192xi32>
    %jit3A_215 = arith.constant 0x7F800000 : f32
    %broadcast_in_dim3A_216 = vector.broadcast %jit3A_215 : f32 to vector<128x8192xf32>
    %select_n3A_217 = arith.select %eq3A_214, %broadcast_in_dim3A_216, %select_n3A_195 : vector<128x8192xi1>, vector<128x8192xf32>
    %reduce_min3A_218 = arith.constant dense<0x7F800000> : vector<128xf32>
    %reduce_min3A_219 = vector.multi_reduction <minimumf>, %select_n3A_217, %reduce_min3A_218 [1] : vector<128x8192xf32> to vector<128xf32>
    %broadcast_in_dim3A_220 = vector.shape_cast %reduce_min3A_219 : vector<128xf32> to vector<128x1xf32>
    %eq3A_221 = vector.broadcast %broadcast_in_dim3A_220 : vector<128x1xf32> to vector<128x8192xf32>
    %eq3A_222 = arith.cmpf oeq, %select_n3A_217, %eq3A_221 : vector<128x8192xf32>
    %jit3A_223 = arith.constant 8192 : i32
    %broadcast_in_dim3A_224 = vector.broadcast %jit3A_223 : i32 to vector<128x8192xi32>
    %select_n3A_225 = arith.select %eq3A_222, %iota3A, %broadcast_in_dim3A_224 : vector<128x8192xi1>, vector<128x8192xi32>
    %reduce_min3A_226 = arith.constant dense<2147483647> : vector<128xi32>
    %reduce_min3A_227 = vector.multi_reduction <minsi>, %select_n3A_225, %reduce_min3A_226 [1] : vector<128x8192xi32> to vector<128xi32>
    %broadcast_in_dim3A_228 = vector.shape_cast %reduce_min3A_227 : vector<128xi32> to vector<128x1xi32>
    %swap3A_229 = arith.constant 0 : index
    %swap3A_230 = arith.constant 0 : index
    %swap3A_231 = arith.constant 8 : index
    %swap3A_232 = vector.load %arg3[%swap3A_229, %swap3A_230, %swap3A_231] : memref<1x128x32xi32, #tpu.memory_space<vmem>>, vector<1x128x1xi32>
    %swap3A_233 = vector.shape_cast %swap3A_232 : vector<1x128x1xi32> to vector<128x1xi32>
    %swap3A_234 = vector.shape_cast %broadcast_in_dim3A_228 : vector<128x1xi32> to vector<1x128x1xi32>
    tpu.vector_store %arg3[%swap3A_229, %swap3A_230, %swap3A_231], %swap3A_234 {strides = array<i32>} : memref<1x128x32xi32, #tpu.memory_space<vmem>>, vector<1x128x1xi32>,
    %eq3A_235 = vector.broadcast %broadcast_in_dim3A_228 : vector<128x1xi32> to vector<128x8192xi32>
    %eq3A_236 = arith.cmpi eq, %iota3A, %eq3A_235 : vector<128x8192xi32>
    %jit3A_237 = arith.constant 0x7F800000 : f32
    %broadcast_in_dim3A_238 = vector.broadcast %jit3A_237 : f32 to vector<128x8192xf32>
    %select_n3A_239 = arith.select %eq3A_236, %broadcast_in_dim3A_238, %select_n3A_217 : vector<128x8192xi1>, vector<128x8192xf32>
    %reduce_min3A_240 = arith.constant dense<0x7F800000> : vector<128xf32>
    %reduce_min3A_241 = vector.multi_reduction <minimumf>, %select_n3A_239, %reduce_min3A_240 [1] : vector<128x8192xf32> to vector<128xf32>
    %broadcast_in_dim3A_242 = vector.shape_cast %reduce_min3A_241 : vector<128xf32> to vector<128x1xf32>
    %eq3A_243 = vector.broadcast %broadcast_in_dim3A_242 : vector<128x1xf32> to vector<128x8192xf32>
    %eq3A_244 = arith.cmpf oeq, %select_n3A_239, %eq3A_243 : vector<128x8192xf32>
    %jit3A_245 = arith.constant 8192 : i32
    %broadcast_in_dim3A_246 = vector.broadcast %jit3A_245 : i32 to vector<128x8192xi32>
    %select_n3A_247 = arith.select %eq3A_244, %iota3A, %broadcast_in_dim3A_246 : vector<128x8192xi1>, vector<128x8192xi32>
    %reduce_min3A_248 = arith.constant dense<2147483647> : vector<128xi32>
    %reduce_min3A_249 = vector.multi_reduction <minsi>, %select_n3A_247, %reduce_min3A_248 [1] : vector<128x8192xi32> to vector<128xi32>
    %broadcast_in_dim3A_250 = vector.shape_cast %reduce_min3A_249 : vector<128xi32> to vector<128x1xi32>
    %swap3A_251 = arith.constant 0 : index
    %swap3A_252 = arith.constant 0 : index
    %swap3A_253 = arith.constant 9 : index
    %swap3A_254 = vector.load %arg3[%swap3A_251, %swap3A_252, %swap3A_253] : memref<1x128x32xi32, #tpu.memory_space<vmem>>, vector<1x128x1xi32>
    %swap3A_255 = vector.shape_cast %swap3A_254 : vector<1x128x1xi32> to vector<128x1xi32>
    %swap3A_256 = vector.shape_cast %broadcast_in_dim3A_250 : vector<128x1xi32> to vector<1x128x1xi32>
    tpu.vector_store %arg3[%swap3A_251, %swap3A_252, %swap3A_253], %swap3A_256 {strides = array<i32>} : memref<1x128x32xi32, #tpu.memory_space<vmem>>, vector<1x128x1xi32>,
    %eq3A_257 = vector.broadcast %broadcast_in_dim3A_250 : vector<128x1xi32> to vector<128x8192xi32>
    %eq3A_258 = arith.cmpi eq, %iota3A, %eq3A_257 : vector<128x8192xi32>
    %jit3A_259 = arith.constant 0x7F800000 : f32
    %broadcast_in_dim3A_260 = vector.broadcast %jit3A_259 : f32 to vector<128x8192xf32>
    %select_n3A_261 = arith.select %eq3A_258, %broadcast_in_dim3A_260, %select_n3A_239 : vector<128x8192xi1>, vector<128x8192xf32>
    %reduce_min3A_262 = arith.constant dense<0x7F800000> : vector<128xf32>
    %reduce_min3A_263 = vector.multi_reduction <minimumf>, %select_n3A_261, %reduce_min3A_262 [1] : vector<128x8192xf32> to vector<128xf32>
    %broadcast_in_dim3A_264 = vector.shape_cast %reduce_min3A_263 : vector<128xf32> to vector<128x1xf32>
    %eq3A_265 = vector.broadcast %broadcast_in_dim3A_264 : vector<128x1xf32> to vector<128x8192xf32>
    %eq3A_266 = arith.cmpf oeq, %select_n3A_261, %eq3A_265 : vector<128x8192xf32>
    %jit3A_267 = arith.constant 8192 : i32
    %broadcast_in_dim3A_268 = vector.broadcast %jit3A_267 : i32 to vector<128x8192xi32>
    %select_n3A_269 = arith.select %eq3A_266, %iota3A, %broadcast_in_dim3A_268 : vector<128x8192xi1>, vector<128x8192xi32>
    %reduce_min3A_270 = arith.constant dense<2147483647> : vector<128xi32>
    %reduce_min3A_271 = vector.multi_reduction <minsi>, %select_n3A_269, %reduce_min3A_270 [1] : vector<128x8192xi32> to vector<128xi32>
    %broadcast_in_dim3A_272 = vector.shape_cast %reduce_min3A_271 : vector<128xi32> to vector<128x1xi32>
    %swap3A_273 = arith.constant 0 : index
    %swap3A_274 = arith.constant 0 : index
    %swap3A_275 = arith.constant 10 : index
    %swap3A_276 = vector.load %arg3[%swap3A_273, %swap3A_274, %swap3A_275] : memref<1x128x32xi32, #tpu.memory_space<vmem>>, vector<1x128x1xi32>
    %swap3A_277 = vector.shape_cast %swap3A_276 : vector<1x128x1xi32> to vector<128x1xi32>
    %swap3A_278 = vector.shape_cast %broadcast_in_dim3A_272 : vector<128x1xi32> to vector<1x128x1xi32>
    tpu.vector_store %arg3[%swap3A_273, %swap3A_274, %swap3A_275], %swap3A_278 {strides = array<i32>} : memref<1x128x32xi32, #tpu.memory_space<vmem>>, vector<1x128x1xi32>,
    %eq3A_279 = vector.broadcast %broadcast_in_dim3A_272 : vector<128x1xi32> to vector<128x8192xi32>
    %eq3A_280 = arith.cmpi eq, %iota3A, %eq3A_279 : vector<128x8192xi32>
    %jit3A_281 = arith.constant 0x7F800000 : f32
    %broadcast_in_dim3A_282 = vector.broadcast %jit3A_281 : f32 to vector<128x8192xf32>
    %select_n3A_283 = arith.select %eq3A_280, %broadcast_in_dim3A_282, %select_n3A_261 : vector<128x8192xi1>, vector<128x8192xf32>
    %reduce_min3A_284 = arith.constant dense<0x7F800000> : vector<128xf32>
    %reduce_min3A_285 = vector.multi_reduction <minimumf>, %select_n3A_283, %reduce_min3A_284 [1] : vector<128x8192xf32> to vector<128xf32>
    %broadcast_in_dim3A_286 = vector.shape_cast %reduce_min3A_285 : vector<128xf32> to vector<128x1xf32>
    %eq3A_287 = vector.broadcast %broadcast_in_dim3A_286 : vector<128x1xf32> to vector<128x8192xf32>
    %eq3A_288 = arith.cmpf oeq, %select_n3A_283, %eq3A_287 : vector<128x8192xf32>
    %jit3A_289 = arith.constant 8192 : i32
    %broadcast_in_dim3A_290 = vector.broadcast %jit3A_289 : i32 to vector<128x8192xi32>
    %select_n3A_291 = arith.select %eq3A_288, %iota3A, %broadcast_in_dim3A_290 : vector<128x8192xi1>, vector<128x8192xi32>
    %reduce_min3A_292 = arith.constant dense<2147483647> : vector<128xi32>
    %reduce_min3A_293 = vector.multi_reduction <minsi>, %select_n3A_291, %reduce_min3A_292 [1] : vector<128x8192xi32> to vector<128xi32>
    %broadcast_in_dim3A_294 = vector.shape_cast %reduce_min3A_293 : vector<128xi32> to vector<128x1xi32>
    %swap3A_295 = arith.constant 0 : index
    %swap3A_296 = arith.constant 0 : index
    %swap3A_297 = arith.constant 11 : index
    %swap3A_298 = vector.load %arg3[%swap3A_295, %swap3A_296, %swap3A_297] : memref<1x128x32xi32, #tpu.memory_space<vmem>>, vector<1x128x1xi32>
    %swap3A_299 = vector.shape_cast %swap3A_298 : vector<1x128x1xi32> to vector<128x1xi32>
    %swap3A_300 = vector.shape_cast %broadcast_in_dim3A_294 : vector<128x1xi32> to vector<1x128x1xi32>
    tpu.vector_store %arg3[%swap3A_295, %swap3A_296, %swap3A_297], %swap3A_300 {strides = array<i32>} : memref<1x128x32xi32, #tpu.memory_space<vmem>>, vector<1x128x1xi32>,
    %eq3A_301 = vector.broadcast %broadcast_in_dim3A_294 : vector<128x1xi32> to vector<128x8192xi32>
    %eq3A_302 = arith.cmpi eq, %iota3A, %eq3A_301 : vector<128x8192xi32>
    %jit3A_303 = arith.constant 0x7F800000 : f32
    %broadcast_in_dim3A_304 = vector.broadcast %jit3A_303 : f32 to vector<128x8192xf32>
    %select_n3A_305 = arith.select %eq3A_302, %broadcast_in_dim3A_304, %select_n3A_283 : vector<128x8192xi1>, vector<128x8192xf32>
    %reduce_min3A_306 = arith.constant dense<0x7F800000> : vector<128xf32>
    %reduce_min3A_307 = vector.multi_reduction <minimumf>, %select_n3A_305, %reduce_min3A_306 [1] : vector<128x8192xf32> to vector<128xf32>
    %broadcast_in_dim3A_308 = vector.shape_cast %reduce_min3A_307 : vector<128xf32> to vector<128x1xf32>
    %eq3A_309 = vector.broadcast %broadcast_in_dim3A_308 : vector<128x1xf32> to vector<128x8192xf32>
    %eq3A_310 = arith.cmpf oeq, %select_n3A_305, %eq3A_309 : vector<128x8192xf32>
    %jit3A_311 = arith.constant 8192 : i32
    %broadcast_in_dim3A_312 = vector.broadcast %jit3A_311 : i32 to vector<128x8192xi32>
    %select_n3A_313 = arith.select %eq3A_310, %iota3A, %broadcast_in_dim3A_312 : vector<128x8192xi1>, vector<128x8192xi32>
    %reduce_min3A_314 = arith.constant dense<2147483647> : vector<128xi32>
    %reduce_min3A_315 = vector.multi_reduction <minsi>, %select_n3A_313, %reduce_min3A_314 [1] : vector<128x8192xi32> to vector<128xi32>
    %broadcast_in_dim3A_316 = vector.shape_cast %reduce_min3A_315 : vector<128xi32> to vector<128x1xi32>
    %swap3A_317 = arith.constant 0 : index
    %swap3A_318 = arith.constant 0 : index
    %swap3A_319 = arith.constant 12 : index
    %swap3A_320 = vector.load %arg3[%swap3A_317, %swap3A_318, %swap3A_319] : memref<1x128x32xi32, #tpu.memory_space<vmem>>, vector<1x128x1xi32>
    %swap3A_321 = vector.shape_cast %swap3A_320 : vector<1x128x1xi32> to vector<128x1xi32>
    %swap3A_322 = vector.shape_cast %broadcast_in_dim3A_316 : vector<128x1xi32> to vector<1x128x1xi32>
    tpu.vector_store %arg3[%swap3A_317, %swap3A_318, %swap3A_319], %swap3A_322 {strides = array<i32>} : memref<1x128x32xi32, #tpu.memory_space<vmem>>, vector<1x128x1xi32>,
    %eq3A_323 = vector.broadcast %broadcast_in_dim3A_316 : vector<128x1xi32> to vector<128x8192xi32>
    %eq3A_324 = arith.cmpi eq, %iota3A, %eq3A_323 : vector<128x8192xi32>
    %jit3A_325 = arith.constant 0x7F800000 : f32
    %broadcast_in_dim3A_326 = vector.broadcast %jit3A_325 : f32 to vector<128x8192xf32>
    %select_n3A_327 = arith.select %eq3A_324, %broadcast_in_dim3A_326, %select_n3A_305 : vector<128x8192xi1>, vector<128x8192xf32>
    %reduce_min3A_328 = arith.constant dense<0x7F800000> : vector<128xf32>
    %reduce_min3A_329 = vector.multi_reduction <minimumf>, %select_n3A_327, %reduce_min3A_328 [1] : vector<128x8192xf32> to vector<128xf32>
    %broadcast_in_dim3A_330 = vector.shape_cast %reduce_min3A_329 : vector<128xf32> to vector<128x1xf32>
    %eq3A_331 = vector.broadcast %broadcast_in_dim3A_330 : vector<128x1xf32> to vector<128x8192xf32>
    %eq3A_332 = arith.cmpf oeq, %select_n3A_327, %eq3A_331 : vector<128x8192xf32>
    %jit3A_333 = arith.constant 8192 : i32
    %broadcast_in_dim3A_334 = vector.broadcast %jit3A_333 : i32 to vector<128x8192xi32>
    %select_n3A_335 = arith.select %eq3A_332, %iota3A, %broadcast_in_dim3A_334 : vector<128x8192xi1>, vector<128x8192xi32>
    %reduce_min3A_336 = arith.constant dense<2147483647> : vector<128xi32>
    %reduce_min3A_337 = vector.multi_reduction <minsi>, %select_n3A_335, %reduce_min3A_336 [1] : vector<128x8192xi32> to vector<128xi32>
    %broadcast_in_dim3A_338 = vector.shape_cast %reduce_min3A_337 : vector<128xi32> to vector<128x1xi32>
    %swap3A_339 = arith.constant 0 : index
    %swap3A_340 = arith.constant 0 : index
    %swap3A_341 = arith.constant 13 : index
    %swap3A_342 = vector.load %arg3[%swap3A_339, %swap3A_340, %swap3A_341] : memref<1x128x32xi32, #tpu.memory_space<vmem>>, vector<1x128x1xi32>
    %swap3A_343 = vector.shape_cast %swap3A_342 : vector<1x128x1xi32> to vector<128x1xi32>
    %swap3A_344 = vector.shape_cast %broadcast_in_dim3A_338 : vector<128x1xi32> to vector<1x128x1xi32>
    tpu.vector_store %arg3[%swap3A_339, %swap3A_340, %swap3A_341], %swap3A_344 {strides = array<i32>} : memref<1x128x32xi32, #tpu.memory_space<vmem>>, vector<1x128x1xi32>,
    %eq3A_345 = vector.broadcast %broadcast_in_dim3A_338 : vector<128x1xi32> to vector<128x8192xi32>
    %eq3A_346 = arith.cmpi eq, %iota3A, %eq3A_345 : vector<128x8192xi32>
    %jit3A_347 = arith.constant 0x7F800000 : f32
    %broadcast_in_dim3A_348 = vector.broadcast %jit3A_347 : f32 to vector<128x8192xf32>
    %select_n3A_349 = arith.select %eq3A_346, %broadcast_in_dim3A_348, %select_n3A_327 : vector<128x8192xi1>, vector<128x8192xf32>
    %reduce_min3A_350 = arith.constant dense<0x7F800000> : vector<128xf32>
    %reduce_min3A_351 = vector.multi_reduction <minimumf>, %select_n3A_349, %reduce_min3A_350 [1] : vector<128x8192xf32> to vector<128xf32>
    %broadcast_in_dim3A_352 = vector.shape_cast %reduce_min3A_351 : vector<128xf32> to vector<128x1xf32>
    %eq3A_353 = vector.broadcast %broadcast_in_dim3A_352 : vector<128x1xf32> to vector<128x8192xf32>
    %eq3A_354 = arith.cmpf oeq, %select_n3A_349, %eq3A_353 : vector<128x8192xf32>
    %jit3A_355 = arith.constant 8192 : i32
    %broadcast_in_dim3A_356 = vector.broadcast %jit3A_355 : i32 to vector<128x8192xi32>
    %select_n3A_357 = arith.select %eq3A_354, %iota3A, %broadcast_in_dim3A_356 : vector<128x8192xi1>, vector<128x8192xi32>
    %reduce_min3A_358 = arith.constant dense<2147483647> : vector<128xi32>
    %reduce_min3A_359 = vector.multi_reduction <minsi>, %select_n3A_357, %reduce_min3A_358 [1] : vector<128x8192xi32> to vector<128xi32>
    %broadcast_in_dim3A_360 = vector.shape_cast %reduce_min3A_359 : vector<128xi32> to vector<128x1xi32>
    %swap3A_361 = arith.constant 0 : index
    %swap3A_362 = arith.constant 0 : index
    %swap3A_363 = arith.constant 14 : index
    %swap3A_364 = vector.load %arg3[%swap3A_361, %swap3A_362, %swap3A_363] : memref<1x128x32xi32, #tpu.memory_space<vmem>>, vector<1x128x1xi32>
    %swap3A_365 = vector.shape_cast %swap3A_364 : vector<1x128x1xi32> to vector<128x1xi32>
    %swap3A_366 = vector.shape_cast %broadcast_in_dim3A_360 : vector<128x1xi32> to vector<1x128x1xi32>
    tpu.vector_store %arg3[%swap3A_361, %swap3A_362, %swap3A_363], %swap3A_366 {strides = array<i32>} : memref<1x128x32xi32, #tpu.memory_space<vmem>>, vector<1x128x1xi32>,
    %eq3A_367 = vector.broadcast %broadcast_in_dim3A_360 : vector<128x1xi32> to vector<128x8192xi32>
    %eq3A_368 = arith.cmpi eq, %iota3A, %eq3A_367 : vector<128x8192xi32>
    %jit3A_369 = arith.constant 0x7F800000 : f32
    %broadcast_in_dim3A_370 = vector.broadcast %jit3A_369 : f32 to vector<128x8192xf32>
    %select_n3A_371 = arith.select %eq3A_368, %broadcast_in_dim3A_370, %select_n3A_349 : vector<128x8192xi1>, vector<128x8192xf32>
    %reduce_min3A_372 = arith.constant dense<0x7F800000> : vector<128xf32>
    %reduce_min3A_373 = vector.multi_reduction <minimumf>, %select_n3A_371, %reduce_min3A_372 [1] : vector<128x8192xf32> to vector<128xf32>
    %broadcast_in_dim3A_374 = vector.shape_cast %reduce_min3A_373 : vector<128xf32> to vector<128x1xf32>
    %eq3A_375 = vector.broadcast %broadcast_in_dim3A_374 : vector<128x1xf32> to vector<128x8192xf32>
    %eq3A_376 = arith.cmpf oeq, %select_n3A_371, %eq3A_375 : vector<128x8192xf32>
    %jit3A_377 = arith.constant 8192 : i32
    %broadcast_in_dim3A_378 = vector.broadcast %jit3A_377 : i32 to vector<128x8192xi32>
    %select_n3A_379 = arith.select %eq3A_376, %iota3A, %broadcast_in_dim3A_378 : vector<128x8192xi1>, vector<128x8192xi32>
    %reduce_min3A_380 = arith.constant dense<2147483647> : vector<128xi32>
    %reduce_min3A_381 = vector.multi_reduction <minsi>, %select_n3A_379, %reduce_min3A_380 [1] : vector<128x8192xi32> to vector<128xi32>
    %broadcast_in_dim3A_382 = vector.shape_cast %reduce_min3A_381 : vector<128xi32> to vector<128x1xi32>
    %swap3A_383 = arith.constant 0 : index
    %swap3A_384 = arith.constant 0 : index
    %swap3A_385 = arith.constant 15 : index
    %swap3A_386 = vector.load %arg3[%swap3A_383, %swap3A_384, %swap3A_385] : memref<1x128x32xi32, #tpu.memory_space<vmem>>, vector<1x128x1xi32>
    %swap3A_387 = vector.shape_cast %swap3A_386 : vector<1x128x1xi32> to vector<128x1xi32>
    %swap3A_388 = vector.shape_cast %broadcast_in_dim3A_382 : vector<128x1xi32> to vector<1x128x1xi32>
    tpu.vector_store %arg3[%swap3A_383, %swap3A_384, %swap3A_385], %swap3A_388 {strides = array<i32>} : memref<1x128x32xi32, #tpu.memory_space<vmem>>, vector<1x128x1xi32>,
    %eq3A_389 = vector.broadcast %broadcast_in_dim3A_382 : vector<128x1xi32> to vector<128x8192xi32>
    %eq3A_390 = arith.cmpi eq, %iota3A, %eq3A_389 : vector<128x8192xi32>
    %jit3A_391 = arith.constant 0x7F800000 : f32
    %broadcast_in_dim3A_392 = vector.broadcast %jit3A_391 : f32 to vector<128x8192xf32>
    %select_n3A_393 = arith.select %eq3A_390, %broadcast_in_dim3A_392, %select_n3A_371 : vector<128x8192xi1>, vector<128x8192xf32>
    %reduce_min3A_394 = arith.constant dense<0x7F800000> : vector<128xf32>
    %reduce_min3A_395 = vector.multi_reduction <minimumf>, %select_n3A_393, %reduce_min3A_394 [1] : vector<128x8192xf32> to vector<128xf32>
    %broadcast_in_dim3A_396 = vector.shape_cast %reduce_min3A_395 : vector<128xf32> to vector<128x1xf32>
    %eq3A_397 = vector.broadcast %broadcast_in_dim3A_396 : vector<128x1xf32> to vector<128x8192xf32>
    %eq3A_398 = arith.cmpf oeq, %select_n3A_393, %eq3A_397 : vector<128x8192xf32>
    %jit3A_399 = arith.constant 8192 : i32
    %broadcast_in_dim3A_400 = vector.broadcast %jit3A_399 : i32 to vector<128x8192xi32>
    %select_n3A_401 = arith.select %eq3A_398, %iota3A, %broadcast_in_dim3A_400 : vector<128x8192xi1>, vector<128x8192xi32>
    %reduce_min3A_402 = arith.constant dense<2147483647> : vector<128xi32>
    %reduce_min3A_403 = vector.multi_reduction <minsi>, %select_n3A_401, %reduce_min3A_402 [1] : vector<128x8192xi32> to vector<128xi32>
    %broadcast_in_dim3A_404 = vector.shape_cast %reduce_min3A_403 : vector<128xi32> to vector<128x1xi32>
    %swap3A_405 = arith.constant 0 : index
    %swap3A_406 = arith.constant 0 : index
    %swap3A_407 = arith.constant 16 : index
    %swap3A_408 = vector.load %arg3[%swap3A_405, %swap3A_406, %swap3A_407] : memref<1x128x32xi32, #tpu.memory_space<vmem>>, vector<1x128x1xi32>
    %swap3A_409 = vector.shape_cast %swap3A_408 : vector<1x128x1xi32> to vector<128x1xi32>
    %swap3A_410 = vector.shape_cast %broadcast_in_dim3A_404 : vector<128x1xi32> to vector<1x128x1xi32>
    tpu.vector_store %arg3[%swap3A_405, %swap3A_406, %swap3A_407], %swap3A_410 {strides = array<i32>} : memref<1x128x32xi32, #tpu.memory_space<vmem>>, vector<1x128x1xi32>,
    %eq3A_411 = vector.broadcast %broadcast_in_dim3A_404 : vector<128x1xi32> to vector<128x8192xi32>
    %eq3A_412 = arith.cmpi eq, %iota3A, %eq3A_411 : vector<128x8192xi32>
    %jit3A_413 = arith.constant 0x7F800000 : f32
    %broadcast_in_dim3A_414 = vector.broadcast %jit3A_413 : f32 to vector<128x8192xf32>
    %select_n3A_415 = arith.select %eq3A_412, %broadcast_in_dim3A_414, %select_n3A_393 : vector<128x8192xi1>, vector<128x8192xf32>
    %reduce_min3A_416 = arith.constant dense<0x7F800000> : vector<128xf32>
    %reduce_min3A_417 = vector.multi_reduction <minimumf>, %select_n3A_415, %reduce_min3A_416 [1] : vector<128x8192xf32> to vector<128xf32>
    %broadcast_in_dim3A_418 = vector.shape_cast %reduce_min3A_417 : vector<128xf32> to vector<128x1xf32>
    %eq3A_419 = vector.broadcast %broadcast_in_dim3A_418 : vector<128x1xf32> to vector<128x8192xf32>
    %eq3A_420 = arith.cmpf oeq, %select_n3A_415, %eq3A_419 : vector<128x8192xf32>
    %jit3A_421 = arith.constant 8192 : i32
    %broadcast_in_dim3A_422 = vector.broadcast %jit3A_421 : i32 to vector<128x8192xi32>
    %select_n3A_423 = arith.select %eq3A_420, %iota3A, %broadcast_in_dim3A_422 : vector<128x8192xi1>, vector<128x8192xi32>
    %reduce_min3A_424 = arith.constant dense<2147483647> : vector<128xi32>
    %reduce_min3A_425 = vector.multi_reduction <minsi>, %select_n3A_423, %reduce_min3A_424 [1] : vector<128x8192xi32> to vector<128xi32>
    %broadcast_in_dim3A_426 = vector.shape_cast %reduce_min3A_425 : vector<128xi32> to vector<128x1xi32>
    %swap3A_427 = arith.constant 0 : index
    %swap3A_428 = arith.constant 0 : index
    %swap3A_429 = arith.constant 17 : index
    %swap3A_430 = vector.load %arg3[%swap3A_427, %swap3A_428, %swap3A_429] : memref<1x128x32xi32, #tpu.memory_space<vmem>>, vector<1x128x1xi32>
    %swap3A_431 = vector.shape_cast %swap3A_430 : vector<1x128x1xi32> to vector<128x1xi32>
    %swap3A_432 = vector.shape_cast %broadcast_in_dim3A_426 : vector<128x1xi32> to vector<1x128x1xi32>
    tpu.vector_store %arg3[%swap3A_427, %swap3A_428, %swap3A_429], %swap3A_432 {strides = array<i32>} : memref<1x128x32xi32, #tpu.memory_space<vmem>>, vector<1x128x1xi32>,
    %eq3A_433 = vector.broadcast %broadcast_in_dim3A_426 : vector<128x1xi32> to vector<128x8192xi32>
    %eq3A_434 = arith.cmpi eq, %iota3A, %eq3A_433 : vector<128x8192xi32>
    %jit3A_435 = arith.constant 0x7F800000 : f32
    %broadcast_in_dim3A_436 = vector.broadcast %jit3A_435 : f32 to vector<128x8192xf32>
    %select_n3A_437 = arith.select %eq3A_434, %broadcast_in_dim3A_436, %select_n3A_415 : vector<128x8192xi1>, vector<128x8192xf32>
    %reduce_min3A_438 = arith.constant dense<0x7F800000> : vector<128xf32>
    %reduce_min3A_439 = vector.multi_reduction <minimumf>, %select_n3A_437, %reduce_min3A_438 [1] : vector<128x8192xf32> to vector<128xf32>
    %broadcast_in_dim3A_440 = vector.shape_cast %reduce_min3A_439 : vector<128xf32> to vector<128x1xf32>
    %eq3A_441 = vector.broadcast %broadcast_in_dim3A_440 : vector<128x1xf32> to vector<128x8192xf32>
    %eq3A_442 = arith.cmpf oeq, %select_n3A_437, %eq3A_441 : vector<128x8192xf32>
    %jit3A_443 = arith.constant 8192 : i32
    %broadcast_in_dim3A_444 = vector.broadcast %jit3A_443 : i32 to vector<128x8192xi32>
    %select_n3A_445 = arith.select %eq3A_442, %iota3A, %broadcast_in_dim3A_444 : vector<128x8192xi1>, vector<128x8192xi32>
    %reduce_min3A_446 = arith.constant dense<2147483647> : vector<128xi32>
    %reduce_min3A_447 = vector.multi_reduction <minsi>, %select_n3A_445, %reduce_min3A_446 [1] : vector<128x8192xi32> to vector<128xi32>
    %broadcast_in_dim3A_448 = vector.shape_cast %reduce_min3A_447 : vector<128xi32> to vector<128x1xi32>
    %swap3A_449 = arith.constant 0 : index
    %swap3A_450 = arith.constant 0 : index
    %swap3A_451 = arith.constant 18 : index
    %swap3A_452 = vector.load %arg3[%swap3A_449, %swap3A_450, %swap3A_451] : memref<1x128x32xi32, #tpu.memory_space<vmem>>, vector<1x128x1xi32>
    %swap3A_453 = vector.shape_cast %swap3A_452 : vector<1x128x1xi32> to vector<128x1xi32>
    %swap3A_454 = vector.shape_cast %broadcast_in_dim3A_448 : vector<128x1xi32> to vector<1x128x1xi32>
    tpu.vector_store %arg3[%swap3A_449, %swap3A_450, %swap3A_451], %swap3A_454 {strides = array<i32>} : memref<1x128x32xi32, #tpu.memory_space<vmem>>, vector<1x128x1xi32>,
    %eq3A_455 = vector.broadcast %broadcast_in_dim3A_448 : vector<128x1xi32> to vector<128x8192xi32>
    %eq3A_456 = arith.cmpi eq, %iota3A, %eq3A_455 : vector<128x8192xi32>
    %jit3A_457 = arith.constant 0x7F800000 : f32
    %broadcast_in_dim3A_458 = vector.broadcast %jit3A_457 : f32 to vector<128x8192xf32>
    %select_n3A_459 = arith.select %eq3A_456, %broadcast_in_dim3A_458, %select_n3A_437 : vector<128x8192xi1>, vector<128x8192xf32>
    %reduce_min3A_460 = arith.constant dense<0x7F800000> : vector<128xf32>
    %reduce_min3A_461 = vector.multi_reduction <minimumf>, %select_n3A_459, %reduce_min3A_460 [1] : vector<128x8192xf32> to vector<128xf32>
    %broadcast_in_dim3A_462 = vector.shape_cast %reduce_min3A_461 : vector<128xf32> to vector<128x1xf32>
    %eq3A_463 = vector.broadcast %broadcast_in_dim3A_462 : vector<128x1xf32> to vector<128x8192xf32>
    %eq3A_464 = arith.cmpf oeq, %select_n3A_459, %eq3A_463 : vector<128x8192xf32>
    %jit3A_465 = arith.constant 8192 : i32
    %broadcast_in_dim3A_466 = vector.broadcast %jit3A_465 : i32 to vector<128x8192xi32>
    %select_n3A_467 = arith.select %eq3A_464, %iota3A, %broadcast_in_dim3A_466 : vector<128x8192xi1>, vector<128x8192xi32>
    %reduce_min3A_468 = arith.constant dense<2147483647> : vector<128xi32>
    %reduce_min3A_469 = vector.multi_reduction <minsi>, %select_n3A_467, %reduce_min3A_468 [1] : vector<128x8192xi32> to vector<128xi32>
    %broadcast_in_dim3A_470 = vector.shape_cast %reduce_min3A_469 : vector<128xi32> to vector<128x1xi32>
    %swap3A_471 = arith.constant 0 : index
    %swap3A_472 = arith.constant 0 : index
    %swap3A_473 = arith.constant 19 : index
    %swap3A_474 = vector.load %arg3[%swap3A_471, %swap3A_472, %swap3A_473] : memref<1x128x32xi32, #tpu.memory_space<vmem>>, vector<1x128x1xi32>
    %swap3A_475 = vector.shape_cast %swap3A_474 : vector<1x128x1xi32> to vector<128x1xi32>
    %swap3A_476 = vector.shape_cast %broadcast_in_dim3A_470 : vector<128x1xi32> to vector<1x128x1xi32>
    tpu.vector_store %arg3[%swap3A_471, %swap3A_472, %swap3A_473], %swap3A_476 {strides = array<i32>} : memref<1x128x32xi32, #tpu.memory_space<vmem>>, vector<1x128x1xi32>,
    %eq3A_477 = vector.broadcast %broadcast_in_dim3A_470 : vector<128x1xi32> to vector<128x8192xi32>
    %eq3A_478 = arith.cmpi eq, %iota3A, %eq3A_477 : vector<128x8192xi32>
    %jit3A_479 = arith.constant 0x7F800000 : f32
    %broadcast_in_dim3A_480 = vector.broadcast %jit3A_479 : f32 to vector<128x8192xf32>
    %select_n3A_481 = arith.select %eq3A_478, %broadcast_in_dim3A_480, %select_n3A_459 : vector<128x8192xi1>, vector<128x8192xf32>
    %reduce_min3A_482 = arith.constant dense<0x7F800000> : vector<128xf32>
    %reduce_min3A_483 = vector.multi_reduction <minimumf>, %select_n3A_481, %reduce_min3A_482 [1] : vector<128x8192xf32> to vector<128xf32>
    %broadcast_in_dim3A_484 = vector.shape_cast %reduce_min3A_483 : vector<128xf32> to vector<128x1xf32>
    %eq3A_485 = vector.broadcast %broadcast_in_dim3A_484 : vector<128x1xf32> to vector<128x8192xf32>
    %eq3A_486 = arith.cmpf oeq, %select_n3A_481, %eq3A_485 : vector<128x8192xf32>
    %jit3A_487 = arith.constant 8192 : i32
    %broadcast_in_dim3A_488 = vector.broadcast %jit3A_487 : i32 to vector<128x8192xi32>
    %select_n3A_489 = arith.select %eq3A_486, %iota3A, %broadcast_in_dim3A_488 : vector<128x8192xi1>, vector<128x8192xi32>
    %reduce_min3A_490 = arith.constant dense<2147483647> : vector<128xi32>
    %reduce_min3A_491 = vector.multi_reduction <minsi>, %select_n3A_489, %reduce_min3A_490 [1] : vector<128x8192xi32> to vector<128xi32>
    %broadcast_in_dim3A_492 = vector.shape_cast %reduce_min3A_491 : vector<128xi32> to vector<128x1xi32>
    %swap3A_493 = arith.constant 0 : index
    %swap3A_494 = arith.constant 0 : index
    %swap3A_495 = arith.constant 20 : index
    %swap3A_496 = vector.load %arg3[%swap3A_493, %swap3A_494, %swap3A_495] : memref<1x128x32xi32, #tpu.memory_space<vmem>>, vector<1x128x1xi32>
    %swap3A_497 = vector.shape_cast %swap3A_496 : vector<1x128x1xi32> to vector<128x1xi32>
    %swap3A_498 = vector.shape_cast %broadcast_in_dim3A_492 : vector<128x1xi32> to vector<1x128x1xi32>
    tpu.vector_store %arg3[%swap3A_493, %swap3A_494, %swap3A_495], %swap3A_498 {strides = array<i32>} : memref<1x128x32xi32, #tpu.memory_space<vmem>>, vector<1x128x1xi32>,
    %eq3A_499 = vector.broadcast %broadcast_in_dim3A_492 : vector<128x1xi32> to vector<128x8192xi32>
    %eq3A_500 = arith.cmpi eq, %iota3A, %eq3A_499 : vector<128x8192xi32>
    %jit3A_501 = arith.constant 0x7F800000 : f32
    %broadcast_in_dim3A_502 = vector.broadcast %jit3A_501 : f32 to vector<128x8192xf32>
    %select_n3A_503 = arith.select %eq3A_500, %broadcast_in_dim3A_502, %select_n3A_481 : vector<128x8192xi1>, vector<128x8192xf32>
    %reduce_min3A_504 = arith.constant dense<0x7F800000> : vector<128xf32>
    %reduce_min3A_505 = vector.multi_reduction <minimumf>, %select_n3A_503, %reduce_min3A_504 [1] : vector<128x8192xf32> to vector<128xf32>
    %broadcast_in_dim3A_506 = vector.shape_cast %reduce_min3A_505 : vector<128xf32> to vector<128x1xf32>
    %eq3A_507 = vector.broadcast %broadcast_in_dim3A_506 : vector<128x1xf32> to vector<128x8192xf32>
    %eq3A_508 = arith.cmpf oeq, %select_n3A_503, %eq3A_507 : vector<128x8192xf32>
    %jit3A_509 = arith.constant 8192 : i32
    %broadcast_in_dim3A_510 = vector.broadcast %jit3A_509 : i32 to vector<128x8192xi32>
    %select_n3A_511 = arith.select %eq3A_508, %iota3A, %broadcast_in_dim3A_510 : vector<128x8192xi1>, vector<128x8192xi32>
    %reduce_min3A_512 = arith.constant dense<2147483647> : vector<128xi32>
    %reduce_min3A_513 = vector.multi_reduction <minsi>, %select_n3A_511, %reduce_min3A_512 [1] : vector<128x8192xi32> to vector<128xi32>
    %broadcast_in_dim3A_514 = vector.shape_cast %reduce_min3A_513 : vector<128xi32> to vector<128x1xi32>
    %swap3A_515 = arith.constant 0 : index
    %swap3A_516 = arith.constant 0 : index
    %swap3A_517 = arith.constant 21 : index
    %swap3A_518 = vector.load %arg3[%swap3A_515, %swap3A_516, %swap3A_517] : memref<1x128x32xi32, #tpu.memory_space<vmem>>, vector<1x128x1xi32>
    %swap3A_519 = vector.shape_cast %swap3A_518 : vector<1x128x1xi32> to vector<128x1xi32>
    %swap3A_520 = vector.shape_cast %broadcast_in_dim3A_514 : vector<128x1xi32> to vector<1x128x1xi32>
    tpu.vector_store %arg3[%swap3A_515, %swap3A_516, %swap3A_517], %swap3A_520 {strides = array<i32>} : memref<1x128x32xi32, #tpu.memory_space<vmem>>, vector<1x128x1xi32>,
    %eq3A_521 = vector.broadcast %broadcast_in_dim3A_514 : vector<128x1xi32> to vector<128x8192xi32>
    %eq3A_522 = arith.cmpi eq, %iota3A, %eq3A_521 : vector<128x8192xi32>
    %jit3A_523 = arith.constant 0x7F800000 : f32
    %broadcast_in_dim3A_524 = vector.broadcast %jit3A_523 : f32 to vector<128x8192xf32>
    %select_n3A_525 = arith.select %eq3A_522, %broadcast_in_dim3A_524, %select_n3A_503 : vector<128x8192xi1>, vector<128x8192xf32>
    %reduce_min3A_526 = arith.constant dense<0x7F800000> : vector<128xf32>
    %reduce_min3A_527 = vector.multi_reduction <minimumf>, %select_n3A_525, %reduce_min3A_526 [1] : vector<128x8192xf32> to vector<128xf32>
    %broadcast_in_dim3A_528 = vector.shape_cast %reduce_min3A_527 : vector<128xf32> to vector<128x1xf32>
    %eq3A_529 = vector.broadcast %broadcast_in_dim3A_528 : vector<128x1xf32> to vector<128x8192xf32>
    %eq3A_530 = arith.cmpf oeq, %select_n3A_525, %eq3A_529 : vector<128x8192xf32>
    %jit3A_531 = arith.constant 8192 : i32
    %broadcast_in_dim3A_532 = vector.broadcast %jit3A_531 : i32 to vector<128x8192xi32>
    %select_n3A_533 = arith.select %eq3A_530, %iota3A, %broadcast_in_dim3A_532 : vector<128x8192xi1>, vector<128x8192xi32>
    %reduce_min3A_534 = arith.constant dense<2147483647> : vector<128xi32>
    %reduce_min3A_535 = vector.multi_reduction <minsi>, %select_n3A_533, %reduce_min3A_534 [1] : vector<128x8192xi32> to vector<128xi32>
    %broadcast_in_dim3A_536 = vector.shape_cast %reduce_min3A_535 : vector<128xi32> to vector<128x1xi32>
    %swap3A_537 = arith.constant 0 : index
    %swap3A_538 = arith.constant 0 : index
    %swap3A_539 = arith.constant 22 : index
    %swap3A_540 = vector.load %arg3[%swap3A_537, %swap3A_538, %swap3A_539] : memref<1x128x32xi32, #tpu.memory_space<vmem>>, vector<1x128x1xi32>
    %swap3A_541 = vector.shape_cast %swap3A_540 : vector<1x128x1xi32> to vector<128x1xi32>
    %swap3A_542 = vector.shape_cast %broadcast_in_dim3A_536 : vector<128x1xi32> to vector<1x128x1xi32>
    tpu.vector_store %arg3[%swap3A_537, %swap3A_538, %swap3A_539], %swap3A_542 {strides = array<i32>} : memref<1x128x32xi32, #tpu.memory_space<vmem>>, vector<1x128x1xi32>,
    %eq3A_543 = vector.broadcast %broadcast_in_dim3A_536 : vector<128x1xi32> to vector<128x8192xi32>
    %eq3A_544 = arith.cmpi eq, %iota3A, %eq3A_543 : vector<128x8192xi32>
    %jit3A_545 = arith.constant 0x7F800000 : f32
    %broadcast_in_dim3A_546 = vector.broadcast %jit3A_545 : f32 to vector<128x8192xf32>
    %select_n3A_547 = arith.select %eq3A_544, %broadcast_in_dim3A_546, %select_n3A_525 : vector<128x8192xi1>, vector<128x8192xf32>
    %reduce_min3A_548 = arith.constant dense<0x7F800000> : vector<128xf32>
    %reduce_min3A_549 = vector.multi_reduction <minimumf>, %select_n3A_547, %reduce_min3A_548 [1] : vector<128x8192xf32> to vector<128xf32>
    %broadcast_in_dim3A_550 = vector.shape_cast %reduce_min3A_549 : vector<128xf32> to vector<128x1xf32>
    %eq3A_551 = vector.broadcast %broadcast_in_dim3A_550 : vector<128x1xf32> to vector<128x8192xf32>
    %eq3A_552 = arith.cmpf oeq, %select_n3A_547, %eq3A_551 : vector<128x8192xf32>
    %jit3A_553 = arith.constant 8192 : i32
    %broadcast_in_dim3A_554 = vector.broadcast %jit3A_553 : i32 to vector<128x8192xi32>
    %select_n3A_555 = arith.select %eq3A_552, %iota3A, %broadcast_in_dim3A_554 : vector<128x8192xi1>, vector<128x8192xi32>
    %reduce_min3A_556 = arith.constant dense<2147483647> : vector<128xi32>
    %reduce_min3A_557 = vector.multi_reduction <minsi>, %select_n3A_555, %reduce_min3A_556 [1] : vector<128x8192xi32> to vector<128xi32>
    %broadcast_in_dim3A_558 = vector.shape_cast %reduce_min3A_557 : vector<128xi32> to vector<128x1xi32>
    %swap3A_559 = arith.constant 0 : index
    %swap3A_560 = arith.constant 0 : index
    %swap3A_561 = arith.constant 23 : index
    %swap3A_562 = vector.load %arg3[%swap3A_559, %swap3A_560, %swap3A_561] : memref<1x128x32xi32, #tpu.memory_space<vmem>>, vector<1x128x1xi32>
    %swap3A_563 = vector.shape_cast %swap3A_562 : vector<1x128x1xi32> to vector<128x1xi32>
    %swap3A_564 = vector.shape_cast %broadcast_in_dim3A_558 : vector<128x1xi32> to vector<1x128x1xi32>
    tpu.vector_store %arg3[%swap3A_559, %swap3A_560, %swap3A_561], %swap3A_564 {strides = array<i32>} : memref<1x128x32xi32, #tpu.memory_space<vmem>>, vector<1x128x1xi32>,
    %eq3A_565 = vector.broadcast %broadcast_in_dim3A_558 : vector<128x1xi32> to vector<128x8192xi32>
    %eq3A_566 = arith.cmpi eq, %iota3A, %eq3A_565 : vector<128x8192xi32>
    %jit3A_567 = arith.constant 0x7F800000 : f32
    %broadcast_in_dim3A_568 = vector.broadcast %jit3A_567 : f32 to vector<128x8192xf32>
    %select_n3A_569 = arith.select %eq3A_566, %broadcast_in_dim3A_568, %select_n3A_547 : vector<128x8192xi1>, vector<128x8192xf32>
    %reduce_min3A_570 = arith.constant dense<0x7F800000> : vector<128xf32>
    %reduce_min3A_571 = vector.multi_reduction <minimumf>, %select_n3A_569, %reduce_min3A_570 [1] : vector<128x8192xf32> to vector<128xf32>
    %broadcast_in_dim3A_572 = vector.shape_cast %reduce_min3A_571 : vector<128xf32> to vector<128x1xf32>
    %eq3A_573 = vector.broadcast %broadcast_in_dim3A_572 : vector<128x1xf32> to vector<128x8192xf32>
    %eq3A_574 = arith.cmpf oeq, %select_n3A_569, %eq3A_573 : vector<128x8192xf32>
    %jit3A_575 = arith.constant 8192 : i32
    %broadcast_in_dim3A_576 = vector.broadcast %jit3A_575 : i32 to vector<128x8192xi32>
    %select_n3A_577 = arith.select %eq3A_574, %iota3A, %broadcast_in_dim3A_576 : vector<128x8192xi1>, vector<128x8192xi32>
    %reduce_min3A_578 = arith.constant dense<2147483647> : vector<128xi32>
    %reduce_min3A_579 = vector.multi_reduction <minsi>, %select_n3A_577, %reduce_min3A_578 [1] : vector<128x8192xi32> to vector<128xi32>
    %broadcast_in_dim3A_580 = vector.shape_cast %reduce_min3A_579 : vector<128xi32> to vector<128x1xi32>
    %swap3A_581 = arith.constant 0 : index
    %swap3A_582 = arith.constant 0 : index
    %swap3A_583 = arith.constant 24 : index
    %swap3A_584 = vector.load %arg3[%swap3A_581, %swap3A_582, %swap3A_583] : memref<1x128x32xi32, #tpu.memory_space<vmem>>, vector<1x128x1xi32>
    %swap3A_585 = vector.shape_cast %swap3A_584 : vector<1x128x1xi32> to vector<128x1xi32>
    %swap3A_586 = vector.shape_cast %broadcast_in_dim3A_580 : vector<128x1xi32> to vector<1x128x1xi32>
    tpu.vector_store %arg3[%swap3A_581, %swap3A_582, %swap3A_583], %swap3A_586 {strides = array<i32>} : memref<1x128x32xi32, #tpu.memory_space<vmem>>, vector<1x128x1xi32>,
    %eq3A_587 = vector.broadcast %broadcast_in_dim3A_580 : vector<128x1xi32> to vector<128x8192xi32>
    %eq3A_588 = arith.cmpi eq, %iota3A, %eq3A_587 : vector<128x8192xi32>
    %jit3A_589 = arith.constant 0x7F800000 : f32
    %broadcast_in_dim3A_590 = vector.broadcast %jit3A_589 : f32 to vector<128x8192xf32>
    %select_n3A_591 = arith.select %eq3A_588, %broadcast_in_dim3A_590, %select_n3A_569 : vector<128x8192xi1>, vector<128x8192xf32>
    %reduce_min3A_592 = arith.constant dense<0x7F800000> : vector<128xf32>
    %reduce_min3A_593 = vector.multi_reduction <minimumf>, %select_n3A_591, %reduce_min3A_592 [1] : vector<128x8192xf32> to vector<128xf32>
    %broadcast_in_dim3A_594 = vector.shape_cast %reduce_min3A_593 : vector<128xf32> to vector<128x1xf32>
    %eq3A_595 = vector.broadcast %broadcast_in_dim3A_594 : vector<128x1xf32> to vector<128x8192xf32>
    %eq3A_596 = arith.cmpf oeq, %select_n3A_591, %eq3A_595 : vector<128x8192xf32>
    %jit3A_597 = arith.constant 8192 : i32
    %broadcast_in_dim3A_598 = vector.broadcast %jit3A_597 : i32 to vector<128x8192xi32>
    %select_n3A_599 = arith.select %eq3A_596, %iota3A, %broadcast_in_dim3A_598 : vector<128x8192xi1>, vector<128x8192xi32>
    %reduce_min3A_600 = arith.constant dense<2147483647> : vector<128xi32>
    %reduce_min3A_601 = vector.multi_reduction <minsi>, %select_n3A_599, %reduce_min3A_600 [1] : vector<128x8192xi32> to vector<128xi32>
    %broadcast_in_dim3A_602 = vector.shape_cast %reduce_min3A_601 : vector<128xi32> to vector<128x1xi32>
    %swap3A_603 = arith.constant 0 : index
    %swap3A_604 = arith.constant 0 : index
    %swap3A_605 = arith.constant 25 : index
    %swap3A_606 = vector.load %arg3[%swap3A_603, %swap3A_604, %swap3A_605] : memref<1x128x32xi32, #tpu.memory_space<vmem>>, vector<1x128x1xi32>
    %swap3A_607 = vector.shape_cast %swap3A_606 : vector<1x128x1xi32> to vector<128x1xi32>
    %swap3A_608 = vector.shape_cast %broadcast_in_dim3A_602 : vector<128x1xi32> to vector<1x128x1xi32>
    tpu.vector_store %arg3[%swap3A_603, %swap3A_604, %swap3A_605], %swap3A_608 {strides = array<i32>} : memref<1x128x32xi32, #tpu.memory_space<vmem>>, vector<1x128x1xi32>,
    %eq3A_609 = vector.broadcast %broadcast_in_dim3A_602 : vector<128x1xi32> to vector<128x8192xi32>
    %eq3A_610 = arith.cmpi eq, %iota3A, %eq3A_609 : vector<128x8192xi32>
    %jit3A_611 = arith.constant 0x7F800000 : f32
    %broadcast_in_dim3A_612 = vector.broadcast %jit3A_611 : f32 to vector<128x8192xf32>
    %select_n3A_613 = arith.select %eq3A_610, %broadcast_in_dim3A_612, %select_n3A_591 : vector<128x8192xi1>, vector<128x8192xf32>
    %reduce_min3A_614 = arith.constant dense<0x7F800000> : vector<128xf32>
    %reduce_min3A_615 = vector.multi_reduction <minimumf>, %select_n3A_613, %reduce_min3A_614 [1] : vector<128x8192xf32> to vector<128xf32>
    %broadcast_in_dim3A_616 = vector.shape_cast %reduce_min3A_615 : vector<128xf32> to vector<128x1xf32>
    %eq3A_617 = vector.broadcast %broadcast_in_dim3A_616 : vector<128x1xf32> to vector<128x8192xf32>
    %eq3A_618 = arith.cmpf oeq, %select_n3A_613, %eq3A_617 : vector<128x8192xf32>
    %jit3A_619 = arith.constant 8192 : i32
    %broadcast_in_dim3A_620 = vector.broadcast %jit3A_619 : i32 to vector<128x8192xi32>
    %select_n3A_621 = arith.select %eq3A_618, %iota3A, %broadcast_in_dim3A_620 : vector<128x8192xi1>, vector<128x8192xi32>
    %reduce_min3A_622 = arith.constant dense<2147483647> : vector<128xi32>
    %reduce_min3A_623 = vector.multi_reduction <minsi>, %select_n3A_621, %reduce_min3A_622 [1] : vector<128x8192xi32> to vector<128xi32>
    %broadcast_in_dim3A_624 = vector.shape_cast %reduce_min3A_623 : vector<128xi32> to vector<128x1xi32>
    %swap3A_625 = arith.constant 0 : index
    %swap3A_626 = arith.constant 0 : index
    %swap3A_627 = arith.constant 26 : index
    %swap3A_628 = vector.load %arg3[%swap3A_625, %swap3A_626, %swap3A_627] : memref<1x128x32xi32, #tpu.memory_space<vmem>>, vector<1x128x1xi32>
    %swap3A_629 = vector.shape_cast %swap3A_628 : vector<1x128x1xi32> to vector<128x1xi32>
    %swap3A_630 = vector.shape_cast %broadcast_in_dim3A_624 : vector<128x1xi32> to vector<1x128x1xi32>
    tpu.vector_store %arg3[%swap3A_625, %swap3A_626, %swap3A_627], %swap3A_630 {strides = array<i32>} : memref<1x128x32xi32, #tpu.memory_space<vmem>>, vector<1x128x1xi32>,
    %eq3A_631 = vector.broadcast %broadcast_in_dim3A_624 : vector<128x1xi32> to vector<128x8192xi32>
    %eq3A_632 = arith.cmpi eq, %iota3A, %eq3A_631 : vector<128x8192xi32>
    %jit3A_633 = arith.constant 0x7F800000 : f32
    %broadcast_in_dim3A_634 = vector.broadcast %jit3A_633 : f32 to vector<128x8192xf32>
    %select_n3A_635 = arith.select %eq3A_632, %broadcast_in_dim3A_634, %select_n3A_613 : vector<128x8192xi1>, vector<128x8192xf32>
    %reduce_min3A_636 = arith.constant dense<0x7F800000> : vector<128xf32>
    %reduce_min3A_637 = vector.multi_reduction <minimumf>, %select_n3A_635, %reduce_min3A_636 [1] : vector<128x8192xf32> to vector<128xf32>
    %broadcast_in_dim3A_638 = vector.shape_cast %reduce_min3A_637 : vector<128xf32> to vector<128x1xf32>
    %eq3A_639 = vector.broadcast %broadcast_in_dim3A_638 : vector<128x1xf32> to vector<128x8192xf32>
    %eq3A_640 = arith.cmpf oeq, %select_n3A_635, %eq3A_639 : vector<128x8192xf32>
    %jit3A_641 = arith.constant 8192 : i32
    %broadcast_in_dim3A_642 = vector.broadcast %jit3A_641 : i32 to vector<128x8192xi32>
    %select_n3A_643 = arith.select %eq3A_640, %iota3A, %broadcast_in_dim3A_642 : vector<128x8192xi1>, vector<128x8192xi32>
    %reduce_min3A_644 = arith.constant dense<2147483647> : vector<128xi32>
    %reduce_min3A_645 = vector.multi_reduction <minsi>, %select_n3A_643, %reduce_min3A_644 [1] : vector<128x8192xi32> to vector<128xi32>
    %broadcast_in_dim3A_646 = vector.shape_cast %reduce_min3A_645 : vector<128xi32> to vector<128x1xi32>
    %swap3A_647 = arith.constant 0 : index
    %swap3A_648 = arith.constant 0 : index
    %swap3A_649 = arith.constant 27 : index
    %swap3A_650 = vector.load %arg3[%swap3A_647, %swap3A_648, %swap3A_649] : memref<1x128x32xi32, #tpu.memory_space<vmem>>, vector<1x128x1xi32>
    %swap3A_651 = vector.shape_cast %swap3A_650 : vector<1x128x1xi32> to vector<128x1xi32>
    %swap3A_652 = vector.shape_cast %broadcast_in_dim3A_646 : vector<128x1xi32> to vector<1x128x1xi32>
    tpu.vector_store %arg3[%swap3A_647, %swap3A_648, %swap3A_649], %swap3A_652 {strides = array<i32>} : memref<1x128x32xi32, #tpu.memory_space<vmem>>, vector<1x128x1xi32>,
    %eq3A_653 = vector.broadcast %broadcast_in_dim3A_646 : vector<128x1xi32> to vector<128x8192xi32>
    %eq3A_654 = arith.cmpi eq, %iota3A, %eq3A_653 : vector<128x8192xi32>
    %jit3A_655 = arith.constant 0x7F800000 : f32
    %broadcast_in_dim3A_656 = vector.broadcast %jit3A_655 : f32 to vector<128x8192xf32>
    %select_n3A_657 = arith.select %eq3A_654, %broadcast_in_dim3A_656, %select_n3A_635 : vector<128x8192xi1>, vector<128x8192xf32>
    %reduce_min3A_658 = arith.constant dense<0x7F800000> : vector<128xf32>
    %reduce_min3A_659 = vector.multi_reduction <minimumf>, %select_n3A_657, %reduce_min3A_658 [1] : vector<128x8192xf32> to vector<128xf32>
    %broadcast_in_dim3A_660 = vector.shape_cast %reduce_min3A_659 : vector<128xf32> to vector<128x1xf32>
    %eq3A_661 = vector.broadcast %broadcast_in_dim3A_660 : vector<128x1xf32> to vector<128x8192xf32>
    %eq3A_662 = arith.cmpf oeq, %select_n3A_657, %eq3A_661 : vector<128x8192xf32>
    %jit3A_663 = arith.constant 8192 : i32
    %broadcast_in_dim3A_664 = vector.broadcast %jit3A_663 : i32 to vector<128x8192xi32>
    %select_n3A_665 = arith.select %eq3A_662, %iota3A, %broadcast_in_dim3A_664 : vector<128x8192xi1>, vector<128x8192xi32>
    %reduce_min3A_666 = arith.constant dense<2147483647> : vector<128xi32>
    %reduce_min3A_667 = vector.multi_reduction <minsi>, %select_n3A_665, %reduce_min3A_666 [1] : vector<128x8192xi32> to vector<128xi32>
    %broadcast_in_dim3A_668 = vector.shape_cast %reduce_min3A_667 : vector<128xi32> to vector<128x1xi32>
    %swap3A_669 = arith.constant 0 : index
    %swap3A_670 = arith.constant 0 : index
    %swap3A_671 = arith.constant 28 : index
    %swap3A_672 = vector.load %arg3[%swap3A_669, %swap3A_670, %swap3A_671] : memref<1x128x32xi32, #tpu.memory_space<vmem>>, vector<1x128x1xi32>
    %swap3A_673 = vector.shape_cast %swap3A_672 : vector<1x128x1xi32> to vector<128x1xi32>
    %swap3A_674 = vector.shape_cast %broadcast_in_dim3A_668 : vector<128x1xi32> to vector<1x128x1xi32>
    tpu.vector_store %arg3[%swap3A_669, %swap3A_670, %swap3A_671], %swap3A_674 {strides = array<i32>} : memref<1x128x32xi32, #tpu.memory_space<vmem>>, vector<1x128x1xi32>,
    %eq3A_675 = vector.broadcast %broadcast_in_dim3A_668 : vector<128x1xi32> to vector<128x8192xi32>
    %eq3A_676 = arith.cmpi eq, %iota3A, %eq3A_675 : vector<128x8192xi32>
    %jit3A_677 = arith.constant 0x7F800000 : f32
    %broadcast_in_dim3A_678 = vector.broadcast %jit3A_677 : f32 to vector<128x8192xf32>
    %select_n3A_679 = arith.select %eq3A_676, %broadcast_in_dim3A_678, %select_n3A_657 : vector<128x8192xi1>, vector<128x8192xf32>
    %reduce_min3A_680 = arith.constant dense<0x7F800000> : vector<128xf32>
    %reduce_min3A_681 = vector.multi_reduction <minimumf>, %select_n3A_679, %reduce_min3A_680 [1] : vector<128x8192xf32> to vector<128xf32>
    %broadcast_in_dim3A_682 = vector.shape_cast %reduce_min3A_681 : vector<128xf32> to vector<128x1xf32>
    %eq3A_683 = vector.broadcast %broadcast_in_dim3A_682 : vector<128x1xf32> to vector<128x8192xf32>
    %eq3A_684 = arith.cmpf oeq, %select_n3A_679, %eq3A_683 : vector<128x8192xf32>
    %jit3A_685 = arith.constant 8192 : i32
    %broadcast_in_dim3A_686 = vector.broadcast %jit3A_685 : i32 to vector<128x8192xi32>
    %select_n3A_687 = arith.select %eq3A_684, %iota3A, %broadcast_in_dim3A_686 : vector<128x8192xi1>, vector<128x8192xi32>
    %reduce_min3A_688 = arith.constant dense<2147483647> : vector<128xi32>
    %reduce_min3A_689 = vector.multi_reduction <minsi>, %select_n3A_687, %reduce_min3A_688 [1] : vector<128x8192xi32> to vector<128xi32>
    %broadcast_in_dim3A_690 = vector.shape_cast %reduce_min3A_689 : vector<128xi32> to vector<128x1xi32>
    %swap3A_691 = arith.constant 0 : index
    %swap3A_692 = arith.constant 0 : index
    %swap3A_693 = arith.constant 29 : index
    %swap3A_694 = vector.load %arg3[%swap3A_691, %swap3A_692, %swap3A_693] : memref<1x128x32xi32, #tpu.memory_space<vmem>>, vector<1x128x1xi32>
    %swap3A_695 = vector.shape_cast %swap3A_694 : vector<1x128x1xi32> to vector<128x1xi32>
    %swap3A_696 = vector.shape_cast %broadcast_in_dim3A_690 : vector<128x1xi32> to vector<1x128x1xi32>
    tpu.vector_store %arg3[%swap3A_691, %swap3A_692, %swap3A_693], %swap3A_696 {strides = array<i32>} : memref<1x128x32xi32, #tpu.memory_space<vmem>>, vector<1x128x1xi32>,
    %eq3A_697 = vector.broadcast %broadcast_in_dim3A_690 : vector<128x1xi32> to vector<128x8192xi32>
    %eq3A_698 = arith.cmpi eq, %iota3A, %eq3A_697 : vector<128x8192xi32>
    %jit3A_699 = arith.constant 0x7F800000 : f32
    %broadcast_in_dim3A_700 = vector.broadcast %jit3A_699 : f32 to vector<128x8192xf32>
    %select_n3A_701 = arith.select %eq3A_698, %broadcast_in_dim3A_700, %select_n3A_679 : vector<128x8192xi1>, vector<128x8192xf32>
    %reduce_min3A_702 = arith.constant dense<0x7F800000> : vector<128xf32>
    %reduce_min3A_703 = vector.multi_reduction <minimumf>, %select_n3A_701, %reduce_min3A_702 [1] : vector<128x8192xf32> to vector<128xf32>
    %broadcast_in_dim3A_704 = vector.shape_cast %reduce_min3A_703 : vector<128xf32> to vector<128x1xf32>
    %eq3A_705 = vector.broadcast %broadcast_in_dim3A_704 : vector<128x1xf32> to vector<128x8192xf32>
    %eq3A_706 = arith.cmpf oeq, %select_n3A_701, %eq3A_705 : vector<128x8192xf32>
    %jit3A_707 = arith.constant 8192 : i32
    %broadcast_in_dim3A_708 = vector.broadcast %jit3A_707 : i32 to vector<128x8192xi32>
    %select_n3A_709 = arith.select %eq3A_706, %iota3A, %broadcast_in_dim3A_708 : vector<128x8192xi1>, vector<128x8192xi32>
    %reduce_min3A_710 = arith.constant dense<2147483647> : vector<128xi32>
    %reduce_min3A_711 = vector.multi_reduction <minsi>, %select_n3A_709, %reduce_min3A_710 [1] : vector<128x8192xi32> to vector<128xi32>
    %broadcast_in_dim3A_712 = vector.shape_cast %reduce_min3A_711 : vector<128xi32> to vector<128x1xi32>
    %swap3A_713 = arith.constant 0 : index
    %swap3A_714 = arith.constant 0 : index
    %swap3A_715 = arith.constant 30 : index
    %swap3A_716 = vector.load %arg3[%swap3A_713, %swap3A_714, %swap3A_715] : memref<1x128x32xi32, #tpu.memory_space<vmem>>, vector<1x128x1xi32>
    %swap3A_717 = vector.shape_cast %swap3A_716 : vector<1x128x1xi32> to vector<128x1xi32>
    %swap3A_718 = vector.shape_cast %broadcast_in_dim3A_712 : vector<128x1xi32> to vector<1x128x1xi32>
    tpu.vector_store %arg3[%swap3A_713, %swap3A_714, %swap3A_715], %swap3A_718 {strides = array<i32>} : memref<1x128x32xi32, #tpu.memory_space<vmem>>, vector<1x128x1xi32>,
    %eq3A_719 = vector.broadcast %broadcast_in_dim3A_712 : vector<128x1xi32> to vector<128x8192xi32>
    %eq3A_720 = arith.cmpi eq, %iota3A, %eq3A_719 : vector<128x8192xi32>
    %jit3A_721 = arith.constant 0x7F800000 : f32
    %broadcast_in_dim3A_722 = vector.broadcast %jit3A_721 : f32 to vector<128x8192xf32>
    %select_n3A_723 = arith.select %eq3A_720, %broadcast_in_dim3A_722, %select_n3A_701 : vector<128x8192xi1>, vector<128x8192xf32>
    %reduce_min3A_724 = arith.constant dense<0x7F800000> : vector<128xf32>
    %reduce_min3A_725 = vector.multi_reduction <minimumf>, %select_n3A_723, %reduce_min3A_724 [1] : vector<128x8192xf32> to vector<128xf32>
    %broadcast_in_dim3A_726 = vector.shape_cast %reduce_min3A_725 : vector<128xf32> to vector<128x1xf32>
    %eq3A_727 = vector.broadcast %broadcast_in_dim3A_726 : vector<128x1xf32> to vector<128x8192xf32>
    %eq3A_728 = arith.cmpf oeq, %select_n3A_723, %eq3A_727 : vector<128x8192xf32>
    %jit3A_729 = arith.constant 8192 : i32
    %broadcast_in_dim3A_730 = vector.broadcast %jit3A_729 : i32 to vector<128x8192xi32>
    %select_n3A_731 = arith.select %eq3A_728, %iota3A, %broadcast_in_dim3A_730 : vector<128x8192xi1>, vector<128x8192xi32>
    %reduce_min3A_732 = arith.constant dense<2147483647> : vector<128xi32>
    %reduce_min3A_733 = vector.multi_reduction <minsi>, %select_n3A_731, %reduce_min3A_732 [1] : vector<128x8192xi32> to vector<128xi32>
    %broadcast_in_dim3A_734 = vector.shape_cast %reduce_min3A_733 : vector<128xi32> to vector<128x1xi32>
    %swap3A_735 = arith.constant 0 : index
    %swap3A_736 = arith.constant 0 : index
    %swap3A_737 = arith.constant 31 : index
    %swap3A_738 = vector.load %arg3[%swap3A_735, %swap3A_736, %swap3A_737] : memref<1x128x32xi32, #tpu.memory_space<vmem>>, vector<1x128x1xi32>
    %swap3A_739 = vector.shape_cast %swap3A_738 : vector<1x128x1xi32> to vector<128x1xi32>
    %swap3A_740 = vector.shape_cast %broadcast_in_dim3A_734 : vector<128x1xi32> to vector<1x128x1xi32>
    tpu.vector_store %arg3[%swap3A_735, %swap3A_736, %swap3A_737], %swap3A_740 {strides = array<i32>} : memref<1x128x32xi32, #tpu.memory_space<vmem>>, vector<1x128x1xi32>,
    return
  }
  func.func @transform_0(%arg0: i32) -> (i32, i32, i32) {
    %c0_i32 = arith.constant 0 : i32
    %c0_i32_0 = arith.constant 0 : i32
    %c0_i32_1 = arith.constant 0 : i32
    return %arg0, %c0_i32, %c0_i32_0 : i32, i32, i32
  }
  func.func @transform_1(%arg0: i32) -> (i32, i32, i32) {
    %c0_i32 = arith.constant 0 : i32
    %c0_i32_0 = arith.constant 0 : i32
    %c0_i32_1 = arith.constant 0 : i32
    return %arg0, %c0_i32, %c0_i32_0 : i32, i32, i32
  }
  func.func @transform_2(%arg0: i32) -> (i32, i32, i32) {
    %c0_i32 = arith.constant 0 : i32
    %c0_i32_0 = arith.constant 0 : i32
    %c0_i32_1 = arith.constant 0 : i32
    return %arg0, %c0_i32, %c0_i32_0 : i32, i32, i32
  }
}

</mosaic_0001>

<sc_bundles>
// kernel: kernel.5.cloned.1.call-start
scs
__scs_entry_jumppad:
0x0: {  	(pc) =	sbr.rel $0x88, $3  }
0x1: {  	(tag) =	ssettag $0x0;
	lr =	simm.s32 $0x1  }
0x2: {  	[smem:$0x3FA0] =	sst lr;
	_ =	strace $0xD0000000  }
0x3: {  	_ = 	snop  }
0x4: {  	_ = 	snop  }
0x5: {  	_ = 	snop  }
0x6: {  	_ = 	snop  }
0x7: {  	_ = 	snop  }
__scs_overlays_trampoline_lowered:
0x8: {  	[smem:$0x3FAF] =	sst s0  }
0x9: {  	[smem:$0x3FB0] =	sst s1  }
0xa: {  	[smem:$0x3FB1] =	sst s2  }
0xb: {  	[smem:$0x3FB2] =	sst s3  }
0xc: {  	[smem:$0x3FB3] =	sst s4  }
0xd: {  	[smem:$0x3FB4] =	sst s5  }
0xe: {  	[smem:$0x3FB5] =	sst s6  }
0xf: {  	[smem:$0x3FB6] =	sst s7  }
0x10: {  	[smem:$0x3FB7] =	sst s8  }
0x11: {  	[smem:$0x3FB8] =	sst s9;
	s0 =	simm.s32 @!p0 $0x0  }
0x12: {  	s1 =	sld [smem:$0x3F9E];
	s0 =	simm.s32 @p0 $0x1  }
0x13: {  	[smem:$0x3FB9] =	sst s0;
	s0 =	simm.s32 @!p1 $0x0  }
0x14: {  	s2 =	sld [smem:$0x3F9D];
	s0 =	simm.s32 @p1 $0x1  }
0x15: {  	[smem:$0x3FBA] =	sst s0;
	s0 =	simm.s32 @!p2 $0x0  }
0x16: {  	s3 =	sld [smem:$0x3FDB];
	s0 =	simm.s32 @p2 $0x1  }
0x17: {  	s4 =	simm.s32 $0x1BF5;
	[smem:$0x3FBC] =	sst s0  }
0x18: {  	s0 =	sld [smem:$0x3F9F];
	_ =	swait.ge [sflag:s4], $0x0  }
0x19: {  	s7 =	sld [smem:$0x3FA0]  }
0x1a: {  	s8 =	sadd.s32 $0xFFFFE003, lr  }
0x1b: {  	s9 =	sadd.s32 $0xFFFFFEF7, lr;
	s5 =	simm.s32 $0xFFFFFFFF;
	p2 =	slt.u32 s8, $0xFFFFF086  }
0x1c: {  	p1 =	slt.u32 s9, $0xF7A;
	s5 =	simm.s32 @!p2 $0x0  }
0x1d: {  	s5 =	simm.s32 @p1 $0x1;
	p0 =	seq.s32 s7, s2  }
0x1e: {  	s7 =	smul.u32 @!p0 $0xF7A, s2;
	p2 =	seq.s32 @!p0 s5, $0x0  }
0x1f: {  	s9 =	smul.u32 $0xF7A, s1;
	s8 =	simm.s32 @!p0 $0x1BF5;
	p2 =	por !p2, p0  }
0x20: {  	[sflag:s8] =	ssyncset.s32 @!p0 $0xFFFFF086;
	s6 =	sadd.s32 @!p0 s3, s7;
	s7 =	simm.s32 @!p0 $0x108  }
0x21: {  	s3 =	sadd.s32 s3, s9;
	s6 =	sadd.s32 @!p0 $0x88, s6;
	s7 =	simm.s32 @p2 $0x1082  }
0x22: {  	[simem:s7], [sflag:s8] =	dma.local @!p0 [hbm:s6], $0xF7A  }
0x23: {  	s9 =	sor.u32 $0xD0000000, s2;
	s6 =	simm.s32 $0x108;
	_ =	swait.ge @!p0 [sflag:s8], $0x0  }
0x24: {  	s3 =	sadd.s32 $0x88, s3;
	s6 =	simm.s32 @!p1 $0x1082;
	[sflag:s4] =	ssyncset.s32 $0xFFFFF086  }
0x25: {  	[simem:s6], [sflag:s4] =	dma.local [hbm:s3], $0xF7A  }
0x26: {  	[smem:$0x3FA0] =	sst s1;
	(tag) =	ssettag s2;
	_ =	strace s9  }
0x27: {  	s1 =	sld [smem:$0x3FB0]  }
0x28: {  	s2 =	sld [smem:$0x3FB1]  }
0x29: {  	s4 =	sld [smem:$0x3FB3]  }
0x2a: {  	p0 =	seq.s32 s5, $0x0;
	s5 =	sld [smem:$0x3FB4]  }
0x2b: {  	s6 =	sld [smem:$0x3FB5]  }
0x2c: {  	s7 =	sld [smem:$0x3FB6]  }
0x2d: {  	s3 =	simm.s32 $0x108;
	s8 =	sld [smem:$0x3FB7]  }
0x2e: {  	s3 =	simm.s32 @!p0 $0x1082;
	s9 =	sld [smem:$0x3FB8]  }
0x2f: {  	lr =	sadd.s32 s0, s3;
	s0 =	sld [smem:$0x3FAF]  }
0x30: {  	s3 =	sld [smem:$0x3FB2]  }
0x31: {  	[smem:$0x3FBB] =	sst s10  }
0x32: {  	s10 =	sld [smem:$0x3FB9];
	_ =	sdelay $0x3  }
0x33: {  	p0 =	seq.s32 s10, $0x1;
	s10 =	sld [smem:$0x3FBB];
	_ =	sdelay $0x3  }
0x34: {  	[smem:$0x3FBB] =	sst s10  }
0x35: {  	s10 =	sld [smem:$0x3FBA];
	_ =	sdelay $0x3  }
0x36: {  	p1 =	seq.s32 s10, $0x1;
	s10 =	sld [smem:$0x3FBB];
	_ =	sdelay $0x3  }
0x37: {  	[smem:$0x3FBB] =	sst s10  }
0x38: {  	s10 =	sld [smem:$0x3FBC]  }
0x39: {  	_ = 	snop;
	(pc) =	sbr.ind lr, $3  }
0x3a: {  	_ = 	snop  }
0x3b: {  	_ = 	snop  }
0x3c: {  	p2 =	seq.s32 s10, $0x1;
	s10 =	sld [smem:$0x3FBB]  }
0x3d: {  	_ =	shalt  }
0x3e: {  	_ =	shalt  }
0x3f: {  	_ =	shalt  }
0x40: {  	_ =	shalt  }
0x41: {  	_ =	shalt  }
0x42: {  	_ =	shalt  }
0x43: {  	_ =	shalt  }
0x44: {  	_ =	shalt  }
0x45: {  	_ =	shalt  }
0x46: {  	_ =	shalt  }
0x47: {  	_ =	shalt  }
0x48: {  	_ =	shalt  }
0x49: {  	_ =	shalt  }
0x4a: {  	_ =	shalt  }
0x4b: {  	_ =	shalt  }
0x4c: {  	_ =	shalt  }
0x4d: {  	_ =	shalt  }
0x4e: {  	_ =	shalt  }
0x4f: {  	_ =	shalt  }
0x50: {  	_ =	shalt  }
0x51: {  	_ =	shalt  }
0x52: {  	_ =	shalt  }
0x53: {  	_ =	shalt  }
0x54: {  	_ =	shalt  }
0x55: {  	_ =	shalt  }
0x56: {  	_ =	shalt  }
0x57: {  	_ =	shalt  }
0x58: {  	_ =	shalt  }
0x59: {  	_ =	shalt  }
0x5a: {  	_ =	shalt  }
0x5b: {  	_ =	shalt  }
0x5c: {  	_ =	shalt  }
0x5d: {  	_ =	shalt  }
0x5e: {  	_ =	shalt  }
0x5f: {  	_ =	shalt  }
0x60: {  	_ =	shalt  }
0x61: {  	_ =	shalt  }
0x62: {  	_ =	shalt  }
0x63: {  	_ =	shalt  }
0x64: {  	_ =	shalt  }
0x65: {  	_ =	shalt  }
0x66: {  	_ =	shalt  }
0x67: {  	_ =	shalt  }
0x68: {  	_ =	shalt  }
0x69: {  	_ =	shalt  }
0x6a: {  	_ =	shalt  }
0x6b: {  	_ =	shalt  }
0x6c: {  	_ =	shalt  }
0x6d: {  	_ =	shalt  }
0x6e: {  	_ =	shalt  }
0x6f: {  	_ =	shalt  }
0x70: {  	_ =	shalt  }
0x71: {  	_ =	shalt  }
0x72: {  	_ =	shalt  }
0x73: {  	_ =	shalt  }
0x74: {  	_ =	shalt  }
0x75: {  	_ =	shalt  }
0x76: {  	_ =	shalt  }
0x77: {  	_ =	shalt  }
0x78: {  	_ =	shalt  }
0x79: {  	_ =	shalt  }
0x7a: {  	_ =	shalt  }
0x7b: {  	_ =	shalt  }
0x7c: {  	_ =	shalt  }
0x7d: {  	_ =	shalt  }
0x7e: {  	_ =	shalt  }
0x7f: {  	_ =	shalt  }
0x80: {  	_ =	shalt  }
0x81: {  	_ =	shalt  }
0x82: {  	_ =	shalt  }
0x83: {  	_ =	shalt  }
0x84: {  	_ =	shalt  }
0x85: {  	_ =	shalt  }
0x86: {  	_ =	shalt  }
0x87: {  	_ =	shalt  }
.Lfunc_end0:
.L_simem_size_0:
called_computation_lowered:
.L_overlay_start_0:
0x88: {  	s2 =	sld [smem:$0x3FD9]  }
0x89: {  	s3 =	sld [smem:$0x3FFE];
	_ =	sdelay $0x1  }
0x8a: {  	s1 =	srdreg.scid  }
0x8b: {  	s0 =	sand.u32 $0x1, s1  }
0x8c: {  	s14 =	sshll.u32 s0, $0xA;
	s2 =	sadd.s32 s3, s2  }
0x8d: {  	s2 =	sadd.s32 s2, s14  }
0x8e: {  	[smem:$0x3FC7] =	sst s2  }
0x8f: {  	_ = 	snop  }
0x90: {  	s2 =	sld [smem:$0x3FD0];
	_ =	sdelay $0x2  }
0x91: {  	s15 =	simm.s32 $0xA;
	s4 =	simm.s32 $0x10  }
0x92: {  	[smem:s4], [sflag:s15] =	dma.local [hbm:s2], $0x1  }
0x93: {  	_ =	swait.eq [sflag:s15], $0x1  }
0x94: {  	[sflag:s15] =	ssyncset.done $0x0  }
0x95: {  	[sflag:s15] =	ssyncadd.s32 $0xFFFFFFFF  }
0x96: {  	s16 =	sld [smem:$0x10];
	(tm) =	ssettm $0x1  }
0x97: {  	s17 =	sld [smem:$0x3FFB];
	_ =	sdelay $0x3  }
0x98: {  	_ =	strace s17  }
0x99: {  	s3 =	sld [smem:$0x3FFC];
	_ =	sdelay $0x3  }
0x9a: {  	_ =	strace s3  }
0x9b: {  	s3 =	sld [smem:$0x3FFD];
	_ =	sdelay $0x3  }
0x9c: {  	_ =	strace s3  }
0x9d: {  	_ =	strace $0x8FFFFFFF  }
0x9e: {  	s18 =	sld [smem:$0x3FDB];
	_ =	sdelay $0x1  }
0x9f: {  	s19 =	simm.s32 $_scs_section_size  }
0xa0: {  	s5 =	simm.s32 $_size__tile_overlayer_lowered;
	s6 =	simm.s32 $_tile_overlayer_lowered  }
0xa1: {  	s22 =	simm.s32 $0x1BFF;
	s21 =	sshll.u32 s6, $0x1;
	s3 =	sadd.s32 s19, s18  }
0xa2: {  	s7 =	simm.s32 $0x0;
	s20 =	sshll.u32 s5, $0x1;
	s5 =	sadd.s32 s21, s3  }
0xa3: {  	[timem:s7], [sflag:s22] =	dma.local [hbm:s5], s20  }
0xa4: {  	_ =	swait.ge [sflag:s22], s20  }
0xa5: {  	s4 =	ssub.s32 $0x0, s20;
	[sflag:s22] =	ssyncset.done $0x0  }
0xa6: {  	[sflag:s22] =	ssyncadd.s32 s4;
	_ =	sdelay $0x1  }
0xa7: {  	s23 =	simm.s32 $0x1B8B  }
0xa8: {  	_ =	swait.ge [sflag:s23], $0x1  }
0xa9: {  	[sflag:s23] =	ssyncset.done $0x0  }
0xaa: {  	s25 =	simm.s32 $0x1B8E;
	s24 =	sld [smem:$0x3FFE];
	[sflag:s23] =	ssyncadd.s32 $0xFFFFFFFF  }
0xab: {  	s26 =	simm.s32 $execute0_lowered;
	[smem:$0x3FD2] =	sst s25  }
0xac: {  	s5 =	sshll.u32 s26, $0x1;
	_ =	strace $0x80000046;
	[dreg:$0x1] =	wrdreg $0xFFFFFFFF  }
0xad: {  	s28 =	simm.s32 $_size_execute0_lowered;
	s3 =	sadd.s32 s3, s5;
	[dreg:$0x0] =	wrdreg $0x0  }
0xae: {  	s5 =	sshll.u32 s28, $0x1;
	[dreg:$0x2] =	wrdreg s3  }
0xaf: {  	[dreg:$0x3] =	wrdreg s5  }
0xb0: {  	[dreg:$0x4] =	wrdreg $0xC0  }
0xb1: {  	_ =	task [dreg:s7], $0x5FFFF  }
0xb2: {  	[dreg:$0x1] =	wrdreg $0xFFFFFFFF  }
0xb3: {  	[dreg:$0x0] =	wrdreg $0x60  }
0xb4: {  	[dreg:$0x2] =	wrdreg s24  }
0xb5: {  	[dreg:$0x3] =	wrdreg s16  }
0xb6: {  	[dreg:$0x4] =	wrdreg $0x9  }
0xb7: {  	_ =	task.clear_ibuf [dreg:s7], $0x5FFFF;
	_ =	strace $0x90000046  }
0xb8: {  	s29 =	simm.s32 $0x9;
	_ =	strace $0x80000048  }
0xb9: {  	_ =	swait.ge [sflag:s29], $0x1  }
0xba: {  	[sflag:s29] =	ssyncadd.s32 $0xFFFFFFFF  }
0xbb: {  	_ =	strace $0x90000048  }
0xbc: {  	_ =	sfence  }
0xbd: {  	s30 =	sld [smem:$0x0];
	_ =	sdelay $0x2  }
0xbe: {  	s31 =	sshll.u32 s1, $0xD;
	s1 =	sshrl.u32 s1, $0x2  }
0xbf: {  	s3 =	sand.u32 $0x4000, s31;
	s1 =	sadd.s32 s1, s30  }
0xc0: {  	s0 =	sor.u32 s3, s0;
	s1 =	sshll.u32 s1, $0x11  }
0xc1: {  	s0 =	sor.u32 s1, s0  }
0xc2: {  	s0 =	sadd.s32 $0x8F2B, s0  }
0xc3: {  	[sflag:s0] =	ssyncadd.remote.s32 $0x1  }
0xc4: {  	_ =	sfence.sel $0xFFFF  }
0xc5: {  	[dreg:$0x0] =	wrdreg $0xFFFFFFFF;
	(pc) =	sbr.abs _section_cstart, $3  }
0xc6: {  	[dreg:$0x1] =	wrdreg $0xFFFFFFFF  }
0xc7: {  	_ =	task.clear_ibuf [dreg:s7], $0x2FFFF;
	_ =	strace $0x9FFFFFFF  }
0xc8: {  	(tm) =	ssettm $0x7FFFFFFF  }
0xc9: {  	_ =	shalt  }
tec
execute0_lowered:
.L_overlay_start_1:
0x0: {  	(tag) =	ssettag $0x1  }
0x1: {  	s3 =	rddreg [dreg:$0x0];
	s1 =	srdreg.scid  }
0x2: {  	s0 =	stileid.u32;
	s7 =	rddreg [dreg:$0x1];
	s11 =	simm.s32 $0x6000  }
0x3: {  	s12 =	simm.s32 $0x7000;
	s13 =	simm.s32 $0xA000;
	s14 =	simm.s32 $0x0  }
0x4: {  	s4 =	sand.u32 $0x1, s1;
	s5 =	sshrl.u32 s0, $0x2;
	s30 =	sshll.u32 s0, $0x8  }
0x5: {  	s2 =	sshll.u32 s4, $0x7;
	s1 =	sand.u32 $0x300, s30;
	s6 =	smul.u32 $0x30000, s5  }
0x6: {  	s9 =	smul.u32 $0x18000, s5;
	s5 =	sshll.u32 s5, $0xF;
	s4 =	ssub.s32 $0x2, s4  }
0x7: {  	s8 =	sor.u32 s2, s1;
	s1 =	rddreg [dreg:$0x2];
	s2 =	simm.s32 $0x0  }
0x8: {  	s31 =	sshrl.u32 s4, $0x1;
	s6 =	sor.u32 s6, s8;
	[smem:$0x7FF] =	sst s2  }
0x9: {  	s5 =	sor.u32 s5, s8;
	s8 =	sor.u32 s9, s8;
	s9 =	ssub.s32 s4, s31  }
0xa: {  	s6 =	sshrl.u32 s6, $0x3;
	_ =	strace $0x80000047;
	s5 =	sshrl.u32 s5, $0x3  }
0xb: {  	s8 =	sshrl.u32 s8, $0x3;
	s6 =	sadd.s32 s6, s3;
	s5 =	sadd.s32 s5, s3  }
0xc: {  	s10 =	sadd.s32 s8, s3;
	s3 =	sadd.s32 $0x4C00, s6;
	s4 =	sadd.s32 $0xC00, s5  }
0xd: {  	s5 =	sadd.s32 s7, s8;
	s6 =	sadd.s32 $0x1CC00, s10;
	s7 =	smax.u32 s9, $0x1  }
0xe: {  	s8 =	simm.s32 $0x80;
	s9 =	simm.s32 $0x400;
	s10 =	simm.s32 $0x1  }
.LBB2_1:
0xf: {  	[tilespmem:s2], [sflag:$0x1] =	stream.strided.gather [hbm4b:s3+s8], $0x6000, s9, s8, $0x38;
	[tilespmem:$0xD000] =	vst v63  }
0x10: {  	_ =	swait.ge [sflag:s10], $0x6000  }
0x11: {  	[sflag:s10] =	ssyncset.done $0x0  }
0x12: {  	[sflag:s10] =	ssyncadd.s32 $0xFFFFA000  }
0x13: {  	[tilespmem:s11], [sflag:$0x1] =	stream.strided.gather [hbm4b:s4+s8], $0x1000, s9, s8, $0x38;
	[tilespmem:$0xD000] =	vst v63  }
0x14: {  	_ =	swait.ge [sflag:s10], $0x1000  }
0x15: {  	[sflag:s10] =	ssyncset.done $0x0  }
0x16: {  	[sflag:s10] =	ssyncadd.s32 $0xFFFFF000  }
0x17: {  	[tilespmem:s12], [sflag:$0x1] =	stream.strided.gather [hbm4b:s5+s8], $0x3000, s9, s8, $0x38;
	[tilespmem:$0xD000] =	vst v63  }
0x18: {  	_ =	swait.ge [sflag:s10], $0x3000  }
0x19: {  	[sflag:s10] =	ssyncset.done $0x0  }
0x1a: {  	s15 =	simm.s32 $0x0;
	[sflag:s10] =	ssyncadd.s32 $0xFFFFD000  }
0x1b: {  	v0 =	vld [tilespmem:s15+$0x6000];
	_ =	sdelay $0x6  }
0x1c: {  	v2 =	vld [tilespmem:s15+$0x7000]  }
0x1d: {  	v1 =	vld.idx.msk [tilespmem:v0+s2+$0x0], $0xffff;
	_ =	sdelay $0x2  }
0x1e: {  	v3 =	vadd.s32 $0x2000, v0;
	_ =	sdelay $0x1  }
0x1f: {  	v1 =	vsub.f32 v1, v2;
	_ =	sdelay $0x1  }
0x20: {  	v2 =	vld [tilespmem:s15+$0x8000];
	[tilespmem:s15+$0xA000] =	vst v1  }
0x21: {  	v1 =	vld.idx.msk [tilespmem:v3+s2+$0x0], $0xffff;
	_ =	sdelay $0x2  }
0x22: {  	v3 =	vadd.s32 $0x4000, v0;
	_ =	sdelay $0x1  }
0x23: {  	v0 =	vsub.f32 v1, v2;
	_ =	sdelay $0x1  }
0x24: {  	[tilespmem:s15+$0xB000] =	vst v0;
	v0 =	vld [tilespmem:s15+$0x9000]  }
0x25: {  	s17 =	simm.s32 $0x10;
	s16 =	simm.s32 $0x80;
	v1 =	vld.idx.msk [tilespmem:v3+s2+$0x0], $0xffff  }
.LBB2_2:
0x26: {  	p0 =	sne.s32 s16, $0x3FC0;
	v2 =	vld [tilespmem:s17+$0x6000];
	_ =	sdelay $0x4  }
0x27: {  	v0 =	vsub.f32 v1, v0;
	_ =	sdelay $0x1  }
0x28: {  	[tilespmem:s15+$0xC000] =	vst v0;
	s15 =	smov.u32 s17  }
0x29: {  	v0 =	vld.idx.msk [tilespmem:v2+s2+$0x0], $0xffff  }
0x2a: {  	v1 =	vld [tilespmem:s15+$0x7000];
	_ =	sdelay $0x2  }
0x2b: {  	v3 =	vadd.s32 $0x2000, v2;
	_ =	sdelay $0x1  }
0x2c: {  	v0 =	vsub.f32 v0, v1;
	_ =	sdelay $0x1  }
0x2d: {  	[tilespmem:s15+$0xA000] =	vst v0  }
0x2e: {  	v0 =	vld.idx.msk [tilespmem:v3+s2+$0x0], $0xffff  }
0x2f: {  	v1 =	vld [tilespmem:s15+$0x8000];
	_ =	sdelay $0x2  }
0x30: {  	v2 =	vadd.s32 $0x4000, v2  }
.Ltmp0:
0x31: {  	(pc) =	sbr.rel @p0 .LBB2_2-.Ltmp0, $3  }
0x32: {  	v0 =	vsub.f32 v0, v1;
	_ =	sdelay $0x1  }
0x33: {  	[tilespmem:s15+$0xB000] =	vst v0;
	v0 =	vld [tilespmem:s15+$0x9000]  }
0x34: {  	s17 =	sshra.s32 s16, $0x2;
	s16 =	sadd.s32 $0x40, s16;
	v1 =	vld.idx.msk [tilespmem:v2+s2+$0x0], $0xffff  }
0x35: {  	v2 =	vld [tilespmem:s17+$0x6000];
	_ =	sdelay $0x3  }
0x36: {  	v0 =	vsub.f32 v1, v0;
	_ =	sdelay $0x1  }
0x37: {  	[tilespmem:s15+$0xC000] =	vst v0  }
0x38: {  	v60 =	vld [tilespmem:s17+$0x7000]  }
0x39: {  	v0 =	vld.idx.msk [tilespmem:v2+s2+$0x0], $0xffff;
	_ =	sdelay $0x2  }
0x3a: {  	v3 =	vadd.s32 $0x2000, v2;
	_ =	sdelay $0x1  }
0x3b: {  	v0 =	vsub.f32 v0, v60;
	_ =	sdelay $0x1  }
0x3c: {  	v61 =	vld [tilespmem:s17+$0x8000];
	[tilespmem:s17+$0xA000] =	vst v0  }
0x3d: {  	v0 =	vld.idx.msk [tilespmem:v3+s2+$0x0], $0xffff;
	_ =	sdelay $0x2  }
0x3e: {  	v2 =	vadd.s32 $0x4000, v2;
	_ =	sdelay $0x1  }
0x3f: {  	v0 =	vsub.f32 v0, v61;
	_ =	sdelay $0x1  }
0x40: {  	v62 =	vld [tilespmem:s17+$0x9000];
	[tilespmem:s17+$0xB000] =	vst v0  }
0x41: {  	v63 =	vld.idx.msk [tilespmem:v2+s2+$0x0], $0xffff;
	_ =	sdelay $0x4  }
0x42: {  	s14 =	sadd.s32 $0x1, s14;
	v0 =	vsub.f32 v63, v62  }
0x43: {  	p0 =	sne.s32 s14, s7  }
.Ltmp1:
0x44: {  	[tilespmem:s17+$0xC000] =	vst v0;
	(pc) =	sbr.rel @p0 .LBB2_1-.Ltmp1, $4  }
0x45: {  	[hbm4b:s6+s8] =	stream.strided.scatter [tilespmem:s13], [sflag:$0x1], $0x3000, s9, s8, $0x38;
	[tilespmem:$0xD000] =	vst v63  }
0x46: {  	_ =	swait.ge [sflag:s10], $0x3000  }
0x47: {  	[sflag:s10] =	ssyncset.done $0x0  }
0x48: {  	[sflag:s10] =	ssyncadd.s32 $0xFFFFD000  }
0x49: {  	_ =	sfence.sel $0x180000  }
0x4a: {  	[bflag:$0x0] =	sbarrier.arrive $0xFFFF  }
0x4b: {  	p0 =	sne.s32 s0, $0x0;
	_ =	strace $0x90000047  }
0x4c: {  	s0 =	sadd.s32 @!p0 $0x100000, s1;
	[bflag:$0x2] =	sbarrier.arrive $0xFFFF  }
0x4d: {  	[sflag:s0] =	ssyncadd.tile.s32 @!p0 $0x1;
	_ =	shalt  }
.Lfunc_end2:
_tile_overlayer_lowered:
.L_overlay_start_2:
0x4e: {  	(tag) =	ssettag $0x2  }
0x4f: {  	s0 =	rddreg [dreg:$0x0];
	s2 =	stileid.u32  }
0x50: {  	s1 =	rddreg [dreg:$0x1];
	p0 =	sne.s32 s2, $0x0  }
0x51: {  	s3 =	rddreg [dreg:$0x2];
	[bflag:$0x3] =	sbarrier.arrive $0xFFFF;
	s2 =	simm.s32 @!p0 $0x1C01  }
0x52: {  	[timem:s3], [sflag:s2] =	dma.local @!p0 [hbm:s0], s1  }
0x53: {  	s0 =	simm.s32 @!p0 $0x1  }
0x54: {  	_ =	swait.ge @!p0 [sflag:s0], s1  }
0x55: {  	s1 =	ssub.s32 @!p0 $0x0, s1;
	[sflag:s0] =	ssyncset.done @!p0 $0x0  }
0x56: {  	[sflag:s0] =	ssyncadd.s32 @!p0 s1  }
0x57: {  	[bflag:$0x3] =	sbarrier.arrive $0xFFFF  }
0x58: {  	_ =	shalt  }

</sc_bundles>
